<compile_context>
chip_gen: v7x
topology: tpu7x:2x2x1
jax: 0.10.2.dev20260603
libtpu: 0.0.44.dev20260713+nightly
codegen_flags: <defaults>
</compile_context>

<pallas_src>
import jax
import jax.numpy as jnp
from jax import lax
from jax.experimental import pallas as pl
from jax.experimental.pallas import tpu as pltpu
from jax.experimental.pallas import tpu_sc as plsc

BATCH = 16384
DIM = 128
HALF = 64
LANES = 16
NUM_OPS = 1000

_NC = 2
_NS = 16
_NW = _NC * _NS

_ROWS_PER_W = BATCH // _NW
_CHUNK = 128
_NCHUNK = _ROWS_PER_W // _CHUNK


def _sc_body(emb_hbm, idx_hbm, tab_hbm, out_hbm,
             tab_sh, idx_all, emb_v, tab_v, out_v,
             sem_e, sem_t, sem_o):
    sid = lax.axis_index("s")
    wid = sid * _NC + lax.axis_index("c")
    rbase = wid * _NCHUNK

    @pl.when(sid == 0)
    def _():
        pltpu.sync_copy(tab_hbm, tab_sh)

    pltpu.sync_copy(idx_hbm.at[pl.ds(rbase, _NCHUNK)], idx_all)

    def start_emb(chunk, slot):
        base = (rbase + chunk) * _CHUNK
        pltpu.async_copy(emb_hbm.at[pl.ds(base, _CHUNK)], emb_v.at[slot],
                         sem_e.at[slot])

    def start_gather(chunk, slot):
        pltpu.async_copy(tab_sh.at[idx_all.at[chunk]], tab_v.at[slot],
                         sem_t.at[slot])

    def wait_in(slot):
        pltpu.make_async_copy(emb_hbm.at[pl.ds(0, _CHUNK)], emb_v.at[slot],
                              sem_e.at[slot]).wait()
        pltpu.make_async_copy(tab_sh.at[pl.ds(0, _CHUNK)], tab_v.at[slot],
                              sem_t.at[slot]).wait()

    def wait_out(slot):
        pltpu.make_async_copy(out_v.at[slot], out_hbm.at[pl.ds(0, _CHUNK)],
                              sem_o.at[slot]).wait()

    start_emb(0, 0)
    plsc.subcore_barrier()
    start_gather(0, 0)

    def chunk_body(chunk, carry):
        slot = lax.rem(chunk, 2)
        nslot = 1 - slot

        @pl.when(chunk + 1 < _NCHUNK)
        def _():
            start_emb(chunk + 1, nslot)
            start_gather(chunk + 1, nslot)

        wait_in(slot)

        @pl.when(chunk >= 2)
        def _():
            wait_out(slot)

        @plsc.parallel_loop(0, _CHUNK, 1, unroll=4)
        def row_body(row):
            for c in range(HALF // LANES):
                lo = c * LANES
                hi = HALF + c * LANES
                er = emb_v[slot, row, pl.ds(lo, LANES)]
                ei = emb_v[slot, row, pl.ds(hi, LANES)]
                rb = tab_v[slot, row, pl.ds(lo, LANES)]
                ib = tab_v[slot, row, pl.ds(hi, LANES)]
                out_v[slot, row, pl.ds(lo, LANES)] = er * rb - ei * ib
                out_v[slot, row, pl.ds(hi, LANES)] = er * ib + ei * rb

        base = (rbase + chunk) * _CHUNK
        pltpu.async_copy(out_v.at[slot], out_hbm.at[pl.ds(base, _CHUNK)],
                         sem_o.at[slot])
        return carry

    lax.fori_loop(0, _NCHUNK, chunk_body, 0)
    wait_out(0)
    wait_out(1)


@jax.jit
def _sc_call(embeddings, idx2d, table):
    mesh = plsc.VectorSubcoreMesh(core_axis_name="c", subcore_axis_name="s")
    return pl.kernel(
        _sc_body,
        out_type=jax.ShapeDtypeStruct((BATCH, DIM), jnp.float32),
        mesh=mesh,
        scratch_types=[
            pltpu.VMEM_SHARED((NUM_OPS, DIM), jnp.float32),
            pltpu.VMEM((_NCHUNK, _CHUNK), jnp.int32),
            pltpu.VMEM((2, _CHUNK, DIM), jnp.float32),
            pltpu.VMEM((2, _CHUNK, DIM), jnp.float32),
            pltpu.VMEM((2, _CHUNK, DIM), jnp.float32),
            pltpu.SemaphoreType.DMA((2,)),
            pltpu.SemaphoreType.DMA((2,)),
            pltpu.SemaphoreType.DMA((2,)),
        ],
    )(embeddings, idx2d, table)


def kernel(embeddings, operator_idxs, real, imag):
    idx2d = operator_idxs.astype(jnp.int32).reshape(BATCH // _CHUNK, _CHUNK)
    table = jnp.concatenate([real, imag], axis=-1)
    return _sc_call(embeddings, idx2d, table)

# --- scband reference (transcript-rebuilt; emitter-appended) ---
"""Pipeline reference for scband-complex-diagonal-dynamic-operator-31361851195508 (READ-ONLY COPY).

The authoritative reference and input builder live on the scoring server;
editing this copy changes nothing except your own understanding.
"""

import jax, jax.numpy as jnp
import numpy as np

DIM = 128
NUM_OPS = 1000
BATCH = 16384

def setup_inputs(seed: int = 0) -> dict:
    key = jax.random.key(seed)
    k1, k2 = jax.random.split(key)
    embeddings = jax.random.normal(k1, (BATCH, DIM), dtype=jnp.float32)
    operator_idxs = jax.random.randint(k2, (BATCH,), 0, NUM_OPS, dtype=jnp.int64)
    # learned params: real initialized to ones, imag to zeros (as in torch __init__)
    real = jnp.ones((NUM_OPS, DIM // 2), dtype=jnp.float32)
    imag = jnp.zeros((NUM_OPS, DIM // 2), dtype=jnp.float32)
    return {"embeddings": embeddings, "operator_idxs": operator_idxs, "real": real, "imag": imag}

def reference(embeddings, operator_idxs, real, imag):
    half = embeddings.shape[-1] // 2
    real_a = embeddings[..., :half]
    imag_a = embeddings[..., half:]
    real_b = jnp.take(real, operator_idxs, axis=0)
    imag_b = jnp.take(imag, operator_idxs, axis=0)
    prod_real = real_a * real_b - imag_a * imag_b
    prod_imag = real_a * imag_b + imag_a * real_b
    return jnp.concatenate([prod_real, prod_imag], axis=-1)

if __name__ == "__main__":
    import jax
    _d = setup_inputs()
    print(jax.jit(kernel)(*tuple(_d.values())))

</pallas_src>

<mosaic_0001>
#map = affine_map<(d0, d1) -> (0, 0)>
module attributes {stable_mosaic.version = 14 : i64} {
  func.func @_sc_body(%arg0: i32, %arg1: i32, %arg2: memref<16384x128xf32, #tpu.memory_space<hbm>>, %arg3: memref<128x128xi32, #tpu.memory_space<hbm>>, %arg4: memref<1000x128xf32, #tpu.memory_space<hbm>>, %arg5: memref<16384x128xf32, #tpu.memory_space<hbm>>, %arg6: memref<1000x128xf32, #tpu.memory_space<vmem_shared>>, %arg7: memref<4x128xi32, #tpu.memory_space<vmem>>, %arg8: memref<2x128x128xf32, #tpu.memory_space<vmem>>, %arg9: memref<2x128x128xf32, #tpu.memory_space<vmem>>, %arg10: memref<2x128x128xf32, #tpu.memory_space<vmem>>, %arg11: memref<2x!tpu.dma_semaphore, #tpu.memory_space<semaphore_mem>>, %arg12: memref<2x!tpu.dma_semaphore, #tpu.memory_space<semaphore_mem>>, %arg13: memref<2x!tpu.dma_semaphore, #tpu.memory_space<semaphore_mem>>) attributes {dimension_semantics = [#tpu.dimension_semantics<core_parallel>, #tpu.dimension_semantics<subcore_parallel>], iteration_bounds = array<i64: 2, 16>, scalar_prefetch = 0 : i64, scratch_operands = 8 : i64, tpu.core_type = #tpu.core_type<sc_vector_subcore>, window_params = [{transform_indices = #map}, {transform_indices = #map}, {transform_indices = #map}, {transform_indices = #map}]} {
    %mul3A = arith.constant 2 : i32
    %mul3A_0 = arith.muli %arg1, %mul3A : i32
    %add3A = arith.addi %mul3A_0, %arg0 : i32
    %mul3A_1 = arith.constant 4 : i32
    %mul3A_2 = arith.muli %add3A, %mul3A_1 : i32
    %eq3A = arith.constant 0 : i32
    %eq3A_3 = arith.cmpi eq, %arg1, %eq3A : i32
    %convert_element_type3A = arith.extui %eq3A_3 : i1 to i32
    %cond3A = arith.constant 0 : i32
    %cond3A_4 = arith.cmpi ne, %convert_element_type3A, %cond3A : i32
    scf.if %cond3A_4 {
      "tpu.region"() ({
        %run_scoped3A = tpu.sem_alloc : memref<!tpu.dma_semaphore, #tpu.memory_space<semaphore_mem>>
        tpu.enqueue_dma source(%arg4 : memref<1000x128xf32, #tpu.memory_space<hbm>>) target(%arg6 : memref<1000x128xf32, #tpu.memory_space<vmem_shared>>) target_semaphore(%run_scoped3A : memref<!tpu.dma_semaphore, #tpu.memory_space<semaphore_mem>>)
        tpu.wait_dma2 semaphore(%run_scoped3A : memref<!tpu.dma_semaphore, #tpu.memory_space<semaphore_mem>>) src(%arg4 : memref<1000x128xf32, #tpu.memory_space<hbm>>) dst(%arg6 : memref<1000x128xf32, #tpu.memory_space<vmem_shared>>)
        tpu.yield
      }) : () -> ()
    } else {
    }
    "tpu.region"() ({
      %run_scoped3A = tpu.sem_alloc : memref<!tpu.dma_semaphore, #tpu.memory_space<semaphore_mem>>
      %dma_start3A_79 = arith.constant 0 : i32
      %dma_start3A_80 = tpu.memref_slice %arg3[%mul3A_2, %dma_start3A_79] : memref<128x128xi32, #tpu.memory_space<hbm>> -> memref<4x128xi32, #tpu.memory_space<hbm>>
      %dma_start3A_81 = arith.constant 0 : i32
      %dma_start3A_82 = tpu.memref_slice %arg3[%mul3A_2, %dma_start3A_81] : memref<128x128xi32, #tpu.memory_space<hbm>> -> memref<4x128xi32, #tpu.memory_space<hbm>>
      tpu.enqueue_dma source(%dma_start3A_82 : memref<4x128xi32, #tpu.memory_space<hbm>>) target(%arg7 : memref<4x128xi32, #tpu.memory_space<vmem>>) target_semaphore(%run_scoped3A : memref<!tpu.dma_semaphore, #tpu.memory_space<semaphore_mem>>)
      %dma_wait3A_83 = arith.constant 0 : i32
      %dma_wait3A_84 = tpu.memref_slice %arg3[%mul3A_2, %dma_wait3A_83] : memref<128x128xi32, #tpu.memory_space<hbm>> -> memref<4x128xi32, #tpu.memory_space<hbm>>
      %dma_wait3A_85 = arith.constant 0 : i32
      %dma_wait3A_86 = tpu.memref_slice %arg3[%mul3A_2, %dma_wait3A_85] : memref<128x128xi32, #tpu.memory_space<hbm>> -> memref<4x128xi32, #tpu.memory_space<hbm>>
      tpu.wait_dma2 semaphore(%run_scoped3A : memref<!tpu.dma_semaphore, #tpu.memory_space<semaphore_mem>>) src(%dma_wait3A_86 : memref<4x128xi32, #tpu.memory_space<hbm>>) dst(%arg7 : memref<4x128xi32, #tpu.memory_space<vmem>>)
      tpu.yield
    }) : () -> ()
    %add3A_5 = arith.constant 0 : i32
    %add3A_6 = arith.addi %mul3A_2, %add3A_5 : i32
    %mul3A_7 = arith.constant 128 : i32
    %mul3A_8 = arith.muli %add3A_6, %mul3A_7 : i32
    %dma_start3A = arith.constant 0 : i32
    %dma_start3A_9 = arith.constant 0 : i32
    %dma_start3A_10 = arith.constant 0 : i32
    %dma_start3A_11 = arith.constant 0 : i32
    %dma_start3A_12 = tpu.memref_slice %arg8[%dma_start3A, %dma_start3A_10, %dma_start3A_11] : memref<2x128x128xf32, #tpu.memory_space<vmem>> -> memref<1x128x128xf32, #tpu.memory_space<vmem>>
    %dma_start3A_13 = tpu.memref_squeeze %dma_start3A_12 : memref<1x128x128xf32, #tpu.memory_space<vmem>> -> memref<128x128xf32, #tpu.memory_space<vmem>>
    %dma_start3A_14 = arith.constant 0 : i32
    %dma_start3A_15 = tpu.memref_slice %arg2[%mul3A_8, %dma_start3A_14] : memref<16384x128xf32, #tpu.memory_space<hbm>> -> memref<128x128xf32, #tpu.memory_space<hbm>>
    %dma_start3A_16 = tpu.memref_slice %arg11[%dma_start3A_9] : memref<2x!tpu.dma_semaphore, #tpu.memory_space<semaphore_mem>> -> memref<1x!tpu.dma_semaphore, #tpu.memory_space<semaphore_mem>>
    %dma_start3A_17 = tpu.memref_squeeze %dma_start3A_16 : memref<1x!tpu.dma_semaphore, #tpu.memory_space<semaphore_mem>> -> memref<!tpu.dma_semaphore, #tpu.memory_space<semaphore_mem>>
    %dma_start3A_18 = arith.constant 0 : i32
    %dma_start3A_19 = arith.constant 0 : i32
    %dma_start3A_20 = tpu.memref_slice %arg8[%dma_start3A, %dma_start3A_18, %dma_start3A_19] : memref<2x128x128xf32, #tpu.memory_space<vmem>> -> memref<1x128x128xf32, #tpu.memory_space<vmem>>
    %dma_start3A_21 = tpu.memref_squeeze %dma_start3A_20 : memref<1x128x128xf32, #tpu.memory_space<vmem>> -> memref<128x128xf32, #tpu.memory_space<vmem>>
    %dma_start3A_22 = arith.constant 0 : i32
    %dma_start3A_23 = tpu.memref_slice %arg2[%mul3A_8, %dma_start3A_22] : memref<16384x128xf32, #tpu.memory_space<hbm>> -> memref<128x128xf32, #tpu.memory_space<hbm>>
    tpu.enqueue_dma source(%dma_start3A_23 : memref<128x128xf32, #tpu.memory_space<hbm>>) target(%dma_start3A_21 : memref<128x128xf32, #tpu.memory_space<vmem>>) target_semaphore(%dma_start3A_17 : memref<!tpu.dma_semaphore, #tpu.memory_space<semaphore_mem>>)
    %barrier3A = arith.constant 0 : index
    tpu.barrier barrier_id(%barrier3A)
    %dma_start3A_24 = arith.constant 0 : i32
    %dma_start3A_25 = arith.constant 0 : i32
    %dma_start3A_26 = arith.constant 0 : i32
    %dma_start3A_27 = arith.constant 0 : i32
    %dma_start3A_28 = arith.constant 0 : i32
    %dma_start3A_29 = tpu.memref_slice %arg9[%dma_start3A_25, %dma_start3A_27, %dma_start3A_28] : memref<2x128x128xf32, #tpu.memory_space<vmem>> -> memref<1x128x128xf32, #tpu.memory_space<vmem>>
    %dma_start3A_30 = tpu.memref_squeeze %dma_start3A_29 : memref<1x128x128xf32, #tpu.memory_space<vmem>> -> memref<128x128xf32, #tpu.memory_space<vmem>>
    %dma_start3A_31 = arith.constant 0 : i32
    %dma_start3A_32 = tpu.memref_slice %arg7[%dma_start3A_24, %dma_start3A_31] : memref<4x128xi32, #tpu.memory_space<vmem>> -> memref<1x128xi32, #tpu.memory_space<vmem>>
    %dma_start3A_33 = tpu.memref_squeeze %dma_start3A_32 : memref<1x128xi32, #tpu.memory_space<vmem>> -> memref<128xi32, #tpu.memory_space<vmem>>
    %dma_start3A_34 = arith.constant 0 : i32
    %dma_start3A_35 = arith.constant 0 : i32
    %dma_start3A_36 = tpu.memref_slice %arg6[%dma_start3A_34, %dma_start3A_35] : memref<1000x128xf32, #tpu.memory_space<vmem_shared>> -> memref<1000x128xf32, #tpu.memory_space<vmem_shared>>
    %dma_start3A_37 = tpu.memref_slice %arg12[%dma_start3A_26] : memref<2x!tpu.dma_semaphore, #tpu.memory_space<semaphore_mem>> -> memref<1x!tpu.dma_semaphore, #tpu.memory_space<semaphore_mem>>
    %dma_start3A_38 = tpu.memref_squeeze %dma_start3A_37 : memref<1x!tpu.dma_semaphore, #tpu.memory_space<semaphore_mem>> -> memref<!tpu.dma_semaphore, #tpu.memory_space<semaphore_mem>>
    tpu.enqueue_indirect_dma source(%dma_start3A_36 : memref<1000x128xf32, #tpu.memory_space<vmem_shared>>) target(%dma_start3A_30 : memref<128x128xf32, #tpu.memory_space<vmem>>) offsets(%dma_start3A_33 : memref<128xi32, #tpu.memory_space<vmem>>) semaphore(%dma_start3A_38 : memref<!tpu.dma_semaphore, #tpu.memory_space<semaphore_mem>>)
    %scan3A = arith.constant 0 : i32
    %scan3A_39 = arith.constant 0 : i32
    %scan3A_40 = arith.constant 4 : i32
    %scan3A_41 = arith.addi %scan3A_39, %scan3A_40 : i32
    %scan3A_42 = arith.constant 1 : i32
    scf.for %scan3A_79 = %scan3A_39 to %scan3A_41 step %scan3A_42  : i32 {
      %rem3A = arith.constant 2 : i32
      %rem3A_80 = arith.remsi %scan3A_79, %rem3A : i32
      %sub3A = arith.constant 1 : i32
      %sub3A_81 = arith.subi %sub3A, %rem3A_80 : i32
      %add3A_82 = arith.constant 1 : i32
      %add3A_83 = arith.addi %scan3A_79, %add3A_82 : i32
      %lt3A = arith.constant 4 : i32
      %lt3A_84 = arith.cmpi slt, %add3A_83, %lt3A : i32
      %convert_element_type3A_85 = arith.extui %lt3A_84 : i1 to i32
      %cond3A_86 = arith.constant 0 : i32
      %cond3A_87 = arith.cmpi ne, %convert_element_type3A_85, %cond3A_86 : i32
      scf.if %cond3A_87 {
        %add3A_143 = arith.constant 1 : i32
        %add3A_144 = arith.addi %scan3A_79, %add3A_143 : i32
        %add3A_145 = arith.addi %mul3A_2, %add3A_144 : i32
        %mul3A_146 = arith.constant 128 : i32
        %mul3A_147 = arith.muli %add3A_145, %mul3A_146 : i32
        %dma_start3A_148 = arith.constant 0 : i32
        %dma_start3A_149 = arith.constant 0 : i32
        %dma_start3A_150 = tpu.memref_slice %arg8[%sub3A_81, %dma_start3A_148, %dma_start3A_149] : memref<2x128x128xf32, #tpu.memory_space<vmem>> -> memref<1x128x128xf32, #tpu.memory_space<vmem>>
        %dma_start3A_151 = tpu.memref_squeeze %dma_start3A_150 : memref<1x128x128xf32, #tpu.memory_space<vmem>> -> memref<128x128xf32, #tpu.memory_space<vmem>>
        %dma_start3A_152 = arith.constant 0 : i32
        %dma_start3A_153 = tpu.memref_slice %arg2[%mul3A_147, %dma_start3A_152] : memref<16384x128xf32, #tpu.memory_space<hbm>> -> memref<128x128xf32, #tpu.memory_space<hbm>>
        %dma_start3A_154 = tpu.memref_slice %arg11[%sub3A_81] : memref<2x!tpu.dma_semaphore, #tpu.memory_space<semaphore_mem>> -> memref<1x!tpu.dma_semaphore, #tpu.memory_space<semaphore_mem>>
        %dma_start3A_155 = tpu.memref_squeeze %dma_start3A_154 : memref<1x!tpu.dma_semaphore, #tpu.memory_space<semaphore_mem>> -> memref<!tpu.dma_semaphore, #tpu.memory_space<semaphore_mem>>
        %dma_start3A_156 = arith.constant 0 : i32
        %dma_start3A_157 = arith.constant 0 : i32
        %dma_start3A_158 = tpu.memref_slice %arg8[%sub3A_81, %dma_start3A_156, %dma_start3A_157] : memref<2x128x128xf32, #tpu.memory_space<vmem>> -> memref<1x128x128xf32, #tpu.memory_space<vmem>>
        %dma_start3A_159 = tpu.memref_squeeze %dma_start3A_158 : memref<1x128x128xf32, #tpu.memory_space<vmem>> -> memref<128x128xf32, #tpu.memory_space<vmem>>
        %dma_start3A_160 = arith.constant 0 : i32
        %dma_start3A_161 = tpu.memref_slice %arg2[%mul3A_147, %dma_start3A_160] : memref<16384x128xf32, #tpu.memory_space<hbm>> -> memref<128x128xf32, #tpu.memory_space<hbm>>
        tpu.enqueue_dma source(%dma_start3A_161 : memref<128x128xf32, #tpu.memory_space<hbm>>) target(%dma_start3A_159 : memref<128x128xf32, #tpu.memory_space<vmem>>) target_semaphore(%dma_start3A_155 : memref<!tpu.dma_semaphore, #tpu.memory_space<semaphore_mem>>)
        %add3A_162 = arith.constant 1 : i32
        %add3A_163 = arith.addi %scan3A_79, %add3A_162 : i32
        %dma_start3A_164 = arith.constant 0 : i32
        %dma_start3A_165 = arith.constant 0 : i32
        %dma_start3A_166 = tpu.memref_slice %arg9[%sub3A_81, %dma_start3A_164, %dma_start3A_165] : memref<2x128x128xf32, #tpu.memory_space<vmem>> -> memref<1x128x128xf32, #tpu.memory_space<vmem>>
        %dma_start3A_167 = tpu.memref_squeeze %dma_start3A_166 : memref<1x128x128xf32, #tpu.memory_space<vmem>> -> memref<128x128xf32, #tpu.memory_space<vmem>>
        %dma_start3A_168 = arith.constant 0 : i32
        %dma_start3A_169 = tpu.memref_slice %arg7[%add3A_163, %dma_start3A_168] : memref<4x128xi32, #tpu.memory_space<vmem>> -> memref<1x128xi32, #tpu.memory_space<vmem>>
        %dma_start3A_170 = tpu.memref_squeeze %dma_start3A_169 : memref<1x128xi32, #tpu.memory_space<vmem>> -> memref<128xi32, #tpu.memory_space<vmem>>
        %dma_start3A_171 = arith.constant 0 : i32
        %dma_start3A_172 = arith.constant 0 : i32
        %dma_start3A_173 = tpu.memref_slice %arg6[%dma_start3A_171, %dma_start3A_172] : memref<1000x128xf32, #tpu.memory_space<vmem_shared>> -> memref<1000x128xf32, #tpu.memory_space<vmem_shared>>
        %dma_start3A_174 = tpu.memref_slice %arg12[%sub3A_81] : memref<2x!tpu.dma_semaphore, #tpu.memory_space<semaphore_mem>> -> memref<1x!tpu.dma_semaphore, #tpu.memory_space<semaphore_mem>>
        %dma_start3A_175 = tpu.memref_squeeze %dma_start3A_174 : memref<1x!tpu.dma_semaphore, #tpu.memory_space<semaphore_mem>> -> memref<!tpu.dma_semaphore, #tpu.memory_space<semaphore_mem>>
        tpu.enqueue_indirect_dma source(%dma_start3A_173 : memref<1000x128xf32, #tpu.memory_space<vmem_shared>>) target(%dma_start3A_167 : memref<128x128xf32, #tpu.memory_space<vmem>>) offsets(%dma_start3A_170 : memref<128xi32, #tpu.memory_space<vmem>>) semaphore(%dma_start3A_175 : memref<!tpu.dma_semaphore, #tpu.memory_space<semaphore_mem>>)
      } else {
      }
      %dma_wait3A_88 = arith.constant 0 : i32
      %dma_wait3A_89 = arith.constant 0 : i32
      %dma_wait3A_90 = tpu.memref_slice %arg8[%rem3A_80, %dma_wait3A_88, %dma_wait3A_89] : memref<2x128x128xf32, #tpu.memory_space<vmem>> -> memref<1x128x128xf32, #tpu.memory_space<vmem>>
      %dma_wait3A_91 = tpu.memref_squeeze %dma_wait3A_90 : memref<1x128x128xf32, #tpu.memory_space<vmem>> -> memref<128x128xf32, #tpu.memory_space<vmem>>
      %dma_wait3A_92 = arith.constant 0 : i32
      %dma_wait3A_93 = arith.constant 0 : i32
      %dma_wait3A_94 = tpu.memref_slice %arg2[%dma_wait3A_92, %dma_wait3A_93] : memref<16384x128xf32, #tpu.memory_space<hbm>> -> memref<128x128xf32, #tpu.memory_space<hbm>>
      %dma_wait3A_95 = tpu.memref_slice %arg11[%rem3A_80] : memref<2x!tpu.dma_semaphore, #tpu.memory_space<semaphore_mem>> -> memref<1x!tpu.dma_semaphore, #tpu.memory_space<semaphore_mem>>
      %dma_wait3A_96 = tpu.memref_squeeze %dma_wait3A_95 : memref<1x!tpu.dma_semaphore, #tpu.memory_space<semaphore_mem>> -> memref<!tpu.dma_semaphore, #tpu.memory_space<semaphore_mem>>
      %dma_wait3A_97 = arith.constant 0 : i32
      %dma_wait3A_98 = arith.constant 0 : i32
      %dma_wait3A_99 = tpu.memref_slice %arg8[%rem3A_80, %dma_wait3A_97, %dma_wait3A_98] : memref<2x128x128xf32, #tpu.memory_space<vmem>> -> memref<1x128x128xf32, #tpu.memory_space<vmem>>
      %dma_wait3A_100 = tpu.memref_squeeze %dma_wait3A_99 : memref<1x128x128xf32, #tpu.memory_space<vmem>> -> memref<128x128xf32, #tpu.memory_space<vmem>>
      %dma_wait3A_101 = arith.constant 0 : i32
      %dma_wait3A_102 = arith.constant 0 : i32
      %dma_wait3A_103 = tpu.memref_slice %arg2[%dma_wait3A_101, %dma_wait3A_102] : memref<16384x128xf32, #tpu.memory_space<hbm>> -> memref<128x128xf32, #tpu.memory_space<hbm>>
      tpu.wait_dma2 semaphore(%dma_wait3A_96 : memref<!tpu.dma_semaphore, #tpu.memory_space<semaphore_mem>>) src(%dma_wait3A_103 : memref<128x128xf32, #tpu.memory_space<hbm>>) dst(%dma_wait3A_100 : memref<128x128xf32, #tpu.memory_space<vmem>>)
      %dma_wait3A_104 = arith.constant 0 : i32
      %dma_wait3A_105 = arith.constant 0 : i32
      %dma_wait3A_106 = tpu.memref_slice %arg9[%rem3A_80, %dma_wait3A_104, %dma_wait3A_105] : memref<2x128x128xf32, #tpu.memory_space<vmem>> -> memref<1x128x128xf32, #tpu.memory_space<vmem>>
      %dma_wait3A_107 = tpu.memref_squeeze %dma_wait3A_106 : memref<1x128x128xf32, #tpu.memory_space<vmem>> -> memref<128x128xf32, #tpu.memory_space<vmem>>
      %dma_wait3A_108 = arith.constant 0 : i32
      %dma_wait3A_109 = arith.constant 0 : i32
      %dma_wait3A_110 = tpu.memref_slice %arg6[%dma_wait3A_108, %dma_wait3A_109] : memref<1000x128xf32, #tpu.memory_space<vmem_shared>> -> memref<128x128xf32, #tpu.memory_space<vmem_shared>>
      %dma_wait3A_111 = tpu.memref_slice %arg12[%rem3A_80] : memref<2x!tpu.dma_semaphore, #tpu.memory_space<semaphore_mem>> -> memref<1x!tpu.dma_semaphore, #tpu.memory_space<semaphore_mem>>
      %dma_wait3A_112 = tpu.memref_squeeze %dma_wait3A_111 : memref<1x!tpu.dma_semaphore, #tpu.memory_space<semaphore_mem>> -> memref<!tpu.dma_semaphore, #tpu.memory_space<semaphore_mem>>
      %dma_wait3A_113 = arith.constant 0 : i32
      %dma_wait3A_114 = arith.constant 0 : i32
      %dma_wait3A_115 = tpu.memref_slice %arg9[%rem3A_80, %dma_wait3A_113, %dma_wait3A_114] : memref<2x128x128xf32, #tpu.memory_space<vmem>> -> memref<1x128x128xf32, #tpu.memory_space<vmem>>
      %dma_wait3A_116 = tpu.memref_squeeze %dma_wait3A_115 : memref<1x128x128xf32, #tpu.memory_space<vmem>> -> memref<128x128xf32, #tpu.memory_space<vmem>>
      %dma_wait3A_117 = arith.constant 0 : i32
      %dma_wait3A_118 = arith.constant 0 : i32
      %dma_wait3A_119 = tpu.memref_slice %arg6[%dma_wait3A_117, %dma_wait3A_118] : memref<1000x128xf32, #tpu.memory_space<vmem_shared>> -> memref<128x128xf32, #tpu.memory_space<vmem_shared>>
      tpu.wait_dma2 semaphore(%dma_wait3A_112 : memref<!tpu.dma_semaphore, #tpu.memory_space<semaphore_mem>>) src(%dma_wait3A_119 : memref<128x128xf32, #tpu.memory_space<vmem_shared>>) dst(%dma_wait3A_116 : memref<128x128xf32, #tpu.memory_space<vmem>>)
      %ge3A = arith.constant 2 : i32
      %ge3A_120 = arith.cmpi sge, %scan3A_79, %ge3A : i32
      %convert_element_type3A_121 = arith.extui %ge3A_120 : i1 to i32
      %cond3A_122 = arith.constant 0 : i32
      %cond3A_123 = arith.cmpi ne, %convert_element_type3A_121, %cond3A_122 : i32
      scf.if %cond3A_123 {
        %dma_wait3A_143 = arith.constant 0 : i32
        %dma_wait3A_144 = arith.constant 0 : i32
        %dma_wait3A_145 = tpu.memref_slice %arg10[%rem3A_80, %dma_wait3A_143, %dma_wait3A_144] : memref<2x128x128xf32, #tpu.memory_space<vmem>> -> memref<1x128x128xf32, #tpu.memory_space<vmem>>
        %dma_wait3A_146 = tpu.memref_squeeze %dma_wait3A_145 : memref<1x128x128xf32, #tpu.memory_space<vmem>> -> memref<128x128xf32, #tpu.memory_space<vmem>>
        %dma_wait3A_147 = arith.constant 0 : i32
        %dma_wait3A_148 = arith.constant 0 : i32
        %dma_wait3A_149 = tpu.memref_slice %arg5[%dma_wait3A_147, %dma_wait3A_148] : memref<16384x128xf32, #tpu.memory_space<hbm>> -> memref<128x128xf32, #tpu.memory_space<hbm>>
        %dma_wait3A_150 = tpu.memref_slice %arg13[%rem3A_80] : memref<2x!tpu.dma_semaphore, #tpu.memory_space<semaphore_mem>> -> memref<1x!tpu.dma_semaphore, #tpu.memory_space<semaphore_mem>>
        %dma_wait3A_151 = tpu.memref_squeeze %dma_wait3A_150 : memref<1x!tpu.dma_semaphore, #tpu.memory_space<semaphore_mem>> -> memref<!tpu.dma_semaphore, #tpu.memory_space<semaphore_mem>>
        %dma_wait3A_152 = arith.constant 0 : i32
        %dma_wait3A_153 = arith.constant 0 : i32
        %dma_wait3A_154 = tpu.memref_slice %arg5[%dma_wait3A_152, %dma_wait3A_153] : memref<16384x128xf32, #tpu.memory_space<hbm>> -> memref<128x128xf32, #tpu.memory_space<hbm>>
        %dma_wait3A_155 = arith.constant 0 : i32
        %dma_wait3A_156 = arith.constant 0 : i32
        %dma_wait3A_157 = tpu.memref_slice %arg10[%rem3A_80, %dma_wait3A_155, %dma_wait3A_156] : memref<2x128x128xf32, #tpu.memory_space<vmem>> -> memref<1x128x128xf32, #tpu.memory_space<vmem>>
        %dma_wait3A_158 = tpu.memref_squeeze %dma_wait3A_157 : memref<1x128x128xf32, #tpu.memory_space<vmem>> -> memref<128x128xf32, #tpu.memory_space<vmem>>
        tpu.wait_dma2 semaphore(%dma_wait3A_151 : memref<!tpu.dma_semaphore, #tpu.memory_space<semaphore_mem>>) src(%dma_wait3A_158 : memref<128x128xf32, #tpu.memory_space<vmem>>) dst(%dma_wait3A_154 : memref<128x128xf32, #tpu.memory_space<hbm>>)
      } else {
      }
      %parallel_loop3A = arith.constant 0 : i32
      %parallel_loop3A_124 = arith.constant 128 : i32
      %parallel_loop3A_125 = arith.constant 1 : i32
      scf.for %parallel_loop3A_143 = %parallel_loop3A to %parallel_loop3A_124 step %parallel_loop3A_125  : i32 {
        %parallel_loop3A_144 = arith.index_cast %rem3A_80 : i32 to index
        %parallel_loop3A_145 = arith.index_cast %parallel_loop3A_143 : i32 to index
        %parallel_loop3A_146 = arith.constant 0 : index
        %parallel_loop3A_147 = tpu.vector_load %arg8[%parallel_loop3A_144, %parallel_loop3A_145, %parallel_loop3A_146] {strides = array<i32>} : memref<2x128x128xf32, #tpu.memory_space<vmem>>, vector<1x1x16xf32>,
        %parallel_loop3A_148 = vector.shape_cast %parallel_loop3A_147 : vector<1x1x16xf32> to vector<16xf32>
        %parallel_loop3A_149 = arith.index_cast %rem3A_80 : i32 to index
        %parallel_loop3A_150 = arith.index_cast %parallel_loop3A_143 : i32 to index
        %parallel_loop3A_151 = arith.constant 64 : index
        %parallel_loop3A_152 = tpu.vector_load %arg8[%parallel_loop3A_149, %parallel_loop3A_150, %parallel_loop3A_151] {strides = array<i32>} : memref<2x128x128xf32, #tpu.memory_space<vmem>>, vector<1x1x16xf32>,
        %parallel_loop3A_153 = vector.shape_cast %parallel_loop3A_152 : vector<1x1x16xf32> to vector<16xf32>
        %parallel_loop3A_154 = arith.index_cast %rem3A_80 : i32 to index
        %parallel_loop3A_155 = arith.index_cast %parallel_loop3A_143 : i32 to index
        %parallel_loop3A_156 = arith.constant 0 : index
        %parallel_loop3A_157 = tpu.vector_load %arg9[%parallel_loop3A_154, %parallel_loop3A_155, %parallel_loop3A_156] {strides = array<i32>} : memref<2x128x128xf32, #tpu.memory_space<vmem>>, vector<1x1x16xf32>,
        %parallel_loop3A_158 = vector.shape_cast %parallel_loop3A_157 : vector<1x1x16xf32> to vector<16xf32>
        %parallel_loop3A_159 = arith.index_cast %rem3A_80 : i32 to index
        %parallel_loop3A_160 = arith.index_cast %parallel_loop3A_143 : i32 to index
        %parallel_loop3A_161 = arith.constant 64 : index
        %parallel_loop3A_162 = tpu.vector_load %arg9[%parallel_loop3A_159, %parallel_loop3A_160, %parallel_loop3A_161] {strides = array<i32>} : memref<2x128x128xf32, #tpu.memory_space<vmem>>, vector<1x1x16xf32>,
        %parallel_loop3A_163 = vector.shape_cast %parallel_loop3A_162 : vector<1x1x16xf32> to vector<16xf32>
        %parallel_loop3A_164 = arith.mulf %parallel_loop3A_148, %parallel_loop3A_158 : vector<16xf32>
        %parallel_loop3A_165 = arith.mulf %parallel_loop3A_153, %parallel_loop3A_163 : vector<16xf32>
        %parallel_loop3A_166 = arith.subf %parallel_loop3A_164, %parallel_loop3A_165 : vector<16xf32>
        %parallel_loop3A_167 = arith.index_cast %rem3A_80 : i32 to index
        %parallel_loop3A_168 = arith.index_cast %parallel_loop3A_143 : i32 to index
        %parallel_loop3A_169 = arith.constant 0 : index
        %parallel_loop3A_170 = tpu.vector_load %arg10[%parallel_loop3A_167, %parallel_loop3A_168, %parallel_loop3A_169] {strides = array<i32>} : memref<2x128x128xf32, #tpu.memory_space<vmem>>, vector<1x1x16xf32>,
        %parallel_loop3A_171 = vector.shape_cast %parallel_loop3A_170 : vector<1x1x16xf32> to vector<16xf32>
        %parallel_loop3A_172 = vector.shape_cast %parallel_loop3A_166 : vector<16xf32> to vector<1x1x16xf32>
        tpu.vector_store %arg10[%parallel_loop3A_167, %parallel_loop3A_168, %parallel_loop3A_169], %parallel_loop3A_172 {strides = array<i32>} : memref<2x128x128xf32, #tpu.memory_space<vmem>>, vector<1x1x16xf32>,
        %parallel_loop3A_173 = arith.mulf %parallel_loop3A_148, %parallel_loop3A_163 : vector<16xf32>
        %parallel_loop3A_174 = arith.mulf %parallel_loop3A_153, %parallel_loop3A_158 : vector<16xf32>
        %parallel_loop3A_175 = arith.addf %parallel_loop3A_173, %parallel_loop3A_174 : vector<16xf32>
        %parallel_loop3A_176 = arith.index_cast %rem3A_80 : i32 to index
        %parallel_loop3A_177 = arith.index_cast %parallel_loop3A_143 : i32 to index
        %parallel_loop3A_178 = arith.constant 64 : index
        %parallel_loop3A_179 = tpu.vector_load %arg10[%parallel_loop3A_176, %parallel_loop3A_177, %parallel_loop3A_178] {strides = array<i32>} : memref<2x128x128xf32, #tpu.memory_space<vmem>>, vector<1x1x16xf32>,
        %parallel_loop3A_180 = vector.shape_cast %parallel_loop3A_179 : vector<1x1x16xf32> to vector<16xf32>
        %parallel_loop3A_181 = vector.shape_cast %parallel_loop3A_175 : vector<16xf32> to vector<1x1x16xf32>
        tpu.vector_store %arg10[%parallel_loop3A_176, %parallel_loop3A_177, %parallel_loop3A_178], %parallel_loop3A_181 {strides = array<i32>} : memref<2x128x128xf32, #tpu.memory_space<vmem>>, vector<1x1x16xf32>,
        %parallel_loop3A_182 = arith.index_cast %rem3A_80 : i32 to index
        %parallel_loop3A_183 = arith.index_cast %parallel_loop3A_143 : i32 to index
        %parallel_loop3A_184 = arith.constant 16 : index
        %parallel_loop3A_185 = tpu.vector_load %arg8[%parallel_loop3A_182, %parallel_loop3A_183, %parallel_loop3A_184] {strides = array<i32>} : memref<2x128x128xf32, #tpu.memory_space<vmem>>, vector<1x1x16xf32>,
        %parallel_loop3A_186 = vector.shape_cast %parallel_loop3A_185 : vector<1x1x16xf32> to vector<16xf32>
        %parallel_loop3A_187 = arith.index_cast %rem3A_80 : i32 to index
        %parallel_loop3A_188 = arith.index_cast %parallel_loop3A_143 : i32 to index
        %parallel_loop3A_189 = arith.constant 80 : index
        %parallel_loop3A_190 = tpu.vector_load %arg8[%parallel_loop3A_187, %parallel_loop3A_188, %parallel_loop3A_189] {strides = array<i32>} : memref<2x128x128xf32, #tpu.memory_space<vmem>>, vector<1x1x16xf32>,
        %parallel_loop3A_191 = vector.shape_cast %parallel_loop3A_190 : vector<1x1x16xf32> to vector<16xf32>
        %parallel_loop3A_192 = arith.index_cast %rem3A_80 : i32 to index
        %parallel_loop3A_193 = arith.index_cast %parallel_loop3A_143 : i32 to index
        %parallel_loop3A_194 = arith.constant 16 : index
        %parallel_loop3A_195 = tpu.vector_load %arg9[%parallel_loop3A_192, %parallel_loop3A_193, %parallel_loop3A_194] {strides = array<i32>} : memref<2x128x128xf32, #tpu.memory_space<vmem>>, vector<1x1x16xf32>,
        %parallel_loop3A_196 = vector.shape_cast %parallel_loop3A_195 : vector<1x1x16xf32> to vector<16xf32>
        %parallel_loop3A_197 = arith.index_cast %rem3A_80 : i32 to index
        %parallel_loop3A_198 = arith.index_cast %parallel_loop3A_143 : i32 to index
        %parallel_loop3A_199 = arith.constant 80 : index
        %parallel_loop3A_200 = tpu.vector_load %arg9[%parallel_loop3A_197, %parallel_loop3A_198, %parallel_loop3A_199] {strides = array<i32>} : memref<2x128x128xf32, #tpu.memory_space<vmem>>, vector<1x1x16xf32>,
        %parallel_loop3A_201 = vector.shape_cast %parallel_loop3A_200 : vector<1x1x16xf32> to vector<16xf32>
        %parallel_loop3A_202 = arith.mulf %parallel_loop3A_186, %parallel_loop3A_196 : vector<16xf32>
        %parallel_loop3A_203 = arith.mulf %parallel_loop3A_191, %parallel_loop3A_201 : vector<16xf32>
        %parallel_loop3A_204 = arith.subf %parallel_loop3A_202, %parallel_loop3A_203 : vector<16xf32>
        %parallel_loop3A_205 = arith.index_cast %rem3A_80 : i32 to index
        %parallel_loop3A_206 = arith.index_cast %parallel_loop3A_143 : i32 to index
        %parallel_loop3A_207 = arith.constant 16 : index
        %parallel_loop3A_208 = tpu.vector_load %arg10[%parallel_loop3A_205, %parallel_loop3A_206, %parallel_loop3A_207] {strides = array<i32>} : memref<2x128x128xf32, #tpu.memory_space<vmem>>, vector<1x1x16xf32>,
        %parallel_loop3A_209 = vector.shape_cast %parallel_loop3A_208 : vector<1x1x16xf32> to vector<16xf32>
        %parallel_loop3A_210 = vector.shape_cast %parallel_loop3A_204 : vector<16xf32> to vector<1x1x16xf32>
        tpu.vector_store %arg10[%parallel_loop3A_205, %parallel_loop3A_206, %parallel_loop3A_207], %parallel_loop3A_210 {strides = array<i32>} : memref<2x128x128xf32, #tpu.memory_space<vmem>>, vector<1x1x16xf32>,
        %parallel_loop3A_211 = arith.mulf %parallel_loop3A_186, %parallel_loop3A_201 : vector<16xf32>
        %parallel_loop3A_212 = arith.mulf %parallel_loop3A_191, %parallel_loop3A_196 : vector<16xf32>
        %parallel_loop3A_213 = arith.addf %parallel_loop3A_211, %parallel_loop3A_212 : vector<16xf32>
        %parallel_loop3A_214 = arith.index_cast %rem3A_80 : i32 to index
        %parallel_loop3A_215 = arith.index_cast %parallel_loop3A_143 : i32 to index
        %parallel_loop3A_216 = arith.constant 80 : index
        %parallel_loop3A_217 = tpu.vector_load %arg10[%parallel_loop3A_214, %parallel_loop3A_215, %parallel_loop3A_216] {strides = array<i32>} : memref<2x128x128xf32, #tpu.memory_space<vmem>>, vector<1x1x16xf32>,
        %parallel_loop3A_218 = vector.shape_cast %parallel_loop3A_217 : vector<1x1x16xf32> to vector<16xf32>
        %parallel_loop3A_219 = vector.shape_cast %parallel_loop3A_213 : vector<16xf32> to vector<1x1x16xf32>
        tpu.vector_store %arg10[%parallel_loop3A_214, %parallel_loop3A_215, %parallel_loop3A_216], %parallel_loop3A_219 {strides = array<i32>} : memref<2x128x128xf32, #tpu.memory_space<vmem>>, vector<1x1x16xf32>,
        %parallel_loop3A_220 = arith.index_cast %rem3A_80 : i32 to index
        %parallel_loop3A_221 = arith.index_cast %parallel_loop3A_143 : i32 to index
        %parallel_loop3A_222 = arith.constant 32 : index
        %parallel_loop3A_223 = tpu.vector_load %arg8[%parallel_loop3A_220, %parallel_loop3A_221, %parallel_loop3A_222] {strides = array<i32>} : memref<2x128x128xf32, #tpu.memory_space<vmem>>, vector<1x1x16xf32>,
        %parallel_loop3A_224 = vector.shape_cast %parallel_loop3A_223 : vector<1x1x16xf32> to vector<16xf32>
        %parallel_loop3A_225 = arith.index_cast %rem3A_80 : i32 to index
        %parallel_loop3A_226 = arith.index_cast %parallel_loop3A_143 : i32 to index
        %parallel_loop3A_227 = arith.constant 96 : index
        %parallel_loop3A_228 = tpu.vector_load %arg8[%parallel_loop3A_225, %parallel_loop3A_226, %parallel_loop3A_227] {strides = array<i32>} : memref<2x128x128xf32, #tpu.memory_space<vmem>>, vector<1x1x16xf32>,
        %parallel_loop3A_229 = vector.shape_cast %parallel_loop3A_228 : vector<1x1x16xf32> to vector<16xf32>
        %parallel_loop3A_230 = arith.index_cast %rem3A_80 : i32 to index
        %parallel_loop3A_231 = arith.index_cast %parallel_loop3A_143 : i32 to index
        %parallel_loop3A_232 = arith.constant 32 : index
        %parallel_loop3A_233 = tpu.vector_load %arg9[%parallel_loop3A_230, %parallel_loop3A_231, %parallel_loop3A_232] {strides = array<i32>} : memref<2x128x128xf32, #tpu.memory_space<vmem>>, vector<1x1x16xf32>,
        %parallel_loop3A_234 = vector.shape_cast %parallel_loop3A_233 : vector<1x1x16xf32> to vector<16xf32>
        %parallel_loop3A_235 = arith.index_cast %rem3A_80 : i32 to index
        %parallel_loop3A_236 = arith.index_cast %parallel_loop3A_143 : i32 to index
        %parallel_loop3A_237 = arith.constant 96 : index
        %parallel_loop3A_238 = tpu.vector_load %arg9[%parallel_loop3A_235, %parallel_loop3A_236, %parallel_loop3A_237] {strides = array<i32>} : memref<2x128x128xf32, #tpu.memory_space<vmem>>, vector<1x1x16xf32>,
        %parallel_loop3A_239 = vector.shape_cast %parallel_loop3A_238 : vector<1x1x16xf32> to vector<16xf32>
        %parallel_loop3A_240 = arith.mulf %parallel_loop3A_224, %parallel_loop3A_234 : vector<16xf32>
        %parallel_loop3A_241 = arith.mulf %parallel_loop3A_229, %parallel_loop3A_239 : vector<16xf32>
        %parallel_loop3A_242 = arith.subf %parallel_loop3A_240, %parallel_loop3A_241 : vector<16xf32>
        %parallel_loop3A_243 = arith.index_cast %rem3A_80 : i32 to index
        %parallel_loop3A_244 = arith.index_cast %parallel_loop3A_143 : i32 to index
        %parallel_loop3A_245 = arith.constant 32 : index
        %parallel_loop3A_246 = tpu.vector_load %arg10[%parallel_loop3A_243, %parallel_loop3A_244, %parallel_loop3A_245] {strides = array<i32>} : memref<2x128x128xf32, #tpu.memory_space<vmem>>, vector<1x1x16xf32>,
        %parallel_loop3A_247 = vector.shape_cast %parallel_loop3A_246 : vector<1x1x16xf32> to vector<16xf32>
        %parallel_loop3A_248 = vector.shape_cast %parallel_loop3A_242 : vector<16xf32> to vector<1x1x16xf32>
        tpu.vector_store %arg10[%parallel_loop3A_243, %parallel_loop3A_244, %parallel_loop3A_245], %parallel_loop3A_248 {strides = array<i32>} : memref<2x128x128xf32, #tpu.memory_space<vmem>>, vector<1x1x16xf32>,
        %parallel_loop3A_249 = arith.mulf %parallel_loop3A_224, %parallel_loop3A_239 : vector<16xf32>
        %parallel_loop3A_250 = arith.mulf %parallel_loop3A_229, %parallel_loop3A_234 : vector<16xf32>
        %parallel_loop3A_251 = arith.addf %parallel_loop3A_249, %parallel_loop3A_250 : vector<16xf32>
        %parallel_loop3A_252 = arith.index_cast %rem3A_80 : i32 to index
        %parallel_loop3A_253 = arith.index_cast %parallel_loop3A_143 : i32 to index
        %parallel_loop3A_254 = arith.constant 96 : index
        %parallel_loop3A_255 = tpu.vector_load %arg10[%parallel_loop3A_252, %parallel_loop3A_253, %parallel_loop3A_254] {strides = array<i32>} : memref<2x128x128xf32, #tpu.memory_space<vmem>>, vector<1x1x16xf32>,
        %parallel_loop3A_256 = vector.shape_cast %parallel_loop3A_255 : vector<1x1x16xf32> to vector<16xf32>
        %parallel_loop3A_257 = vector.shape_cast %parallel_loop3A_251 : vector<16xf32> to vector<1x1x16xf32>
        tpu.vector_store %arg10[%parallel_loop3A_252, %parallel_loop3A_253, %parallel_loop3A_254], %parallel_loop3A_257 {strides = array<i32>} : memref<2x128x128xf32, #tpu.memory_space<vmem>>, vector<1x1x16xf32>,
        %parallel_loop3A_258 = arith.index_cast %rem3A_80 : i32 to index
        %parallel_loop3A_259 = arith.index_cast %parallel_loop3A_143 : i32 to index
        %parallel_loop3A_260 = arith.constant 48 : index
        %parallel_loop3A_261 = tpu.vector_load %arg8[%parallel_loop3A_258, %parallel_loop3A_259, %parallel_loop3A_260] {strides = array<i32>} : memref<2x128x128xf32, #tpu.memory_space<vmem>>, vector<1x1x16xf32>,
        %parallel_loop3A_262 = vector.shape_cast %parallel_loop3A_261 : vector<1x1x16xf32> to vector<16xf32>
        %parallel_loop3A_263 = arith.index_cast %rem3A_80 : i32 to index
        %parallel_loop3A_264 = arith.index_cast %parallel_loop3A_143 : i32 to index
        %parallel_loop3A_265 = arith.constant 112 : index
        %parallel_loop3A_266 = tpu.vector_load %arg8[%parallel_loop3A_263, %parallel_loop3A_264, %parallel_loop3A_265] {strides = array<i32>} : memref<2x128x128xf32, #tpu.memory_space<vmem>>, vector<1x1x16xf32>,
        %parallel_loop3A_267 = vector.shape_cast %parallel_loop3A_266 : vector<1x1x16xf32> to vector<16xf32>
        %parallel_loop3A_268 = arith.index_cast %rem3A_80 : i32 to index
        %parallel_loop3A_269 = arith.index_cast %parallel_loop3A_143 : i32 to index
        %parallel_loop3A_270 = arith.constant 48 : index
        %parallel_loop3A_271 = tpu.vector_load %arg9[%parallel_loop3A_268, %parallel_loop3A_269, %parallel_loop3A_270] {strides = array<i32>} : memref<2x128x128xf32, #tpu.memory_space<vmem>>, vector<1x1x16xf32>,
        %parallel_loop3A_272 = vector.shape_cast %parallel_loop3A_271 : vector<1x1x16xf32> to vector<16xf32>
        %parallel_loop3A_273 = arith.index_cast %rem3A_80 : i32 to index
        %parallel_loop3A_274 = arith.index_cast %parallel_loop3A_143 : i32 to index
        %parallel_loop3A_275 = arith.constant 112 : index
        %parallel_loop3A_276 = tpu.vector_load %arg9[%parallel_loop3A_273, %parallel_loop3A_274, %parallel_loop3A_275] {strides = array<i32>} : memref<2x128x128xf32, #tpu.memory_space<vmem>>, vector<1x1x16xf32>,
        %parallel_loop3A_277 = vector.shape_cast %parallel_loop3A_276 : vector<1x1x16xf32> to vector<16xf32>
        %parallel_loop3A_278 = arith.mulf %parallel_loop3A_262, %parallel_loop3A_272 : vector<16xf32>
        %parallel_loop3A_279 = arith.mulf %parallel_loop3A_267, %parallel_loop3A_277 : vector<16xf32>
        %parallel_loop3A_280 = arith.subf %parallel_loop3A_278, %parallel_loop3A_279 : vector<16xf32>
        %parallel_loop3A_281 = arith.index_cast %rem3A_80 : i32 to index
        %parallel_loop3A_282 = arith.index_cast %parallel_loop3A_143 : i32 to index
        %parallel_loop3A_283 = arith.constant 48 : index
        %parallel_loop3A_284 = tpu.vector_load %arg10[%parallel_loop3A_281, %parallel_loop3A_282, %parallel_loop3A_283] {strides = array<i32>} : memref<2x128x128xf32, #tpu.memory_space<vmem>>, vector<1x1x16xf32>,
        %parallel_loop3A_285 = vector.shape_cast %parallel_loop3A_284 : vector<1x1x16xf32> to vector<16xf32>
        %parallel_loop3A_286 = vector.shape_cast %parallel_loop3A_280 : vector<16xf32> to vector<1x1x16xf32>
        tpu.vector_store %arg10[%parallel_loop3A_281, %parallel_loop3A_282, %parallel_loop3A_283], %parallel_loop3A_286 {strides = array<i32>} : memref<2x128x128xf32, #tpu.memory_space<vmem>>, vector<1x1x16xf32>,
        %parallel_loop3A_287 = arith.mulf %parallel_loop3A_262, %parallel_loop3A_277 : vector<16xf32>
        %parallel_loop3A_288 = arith.mulf %parallel_loop3A_267, %parallel_loop3A_272 : vector<16xf32>
        %parallel_loop3A_289 = arith.addf %parallel_loop3A_287, %parallel_loop3A_288 : vector<16xf32>
        %parallel_loop3A_290 = arith.index_cast %rem3A_80 : i32 to index
        %parallel_loop3A_291 = arith.index_cast %parallel_loop3A_143 : i32 to index
        %parallel_loop3A_292 = arith.constant 112 : index
        %parallel_loop3A_293 = tpu.vector_load %arg10[%parallel_loop3A_290, %parallel_loop3A_291, %parallel_loop3A_292] {strides = array<i32>} : memref<2x128x128xf32, #tpu.memory_space<vmem>>, vector<1x1x16xf32>,
        %parallel_loop3A_294 = vector.shape_cast %parallel_loop3A_293 : vector<1x1x16xf32> to vector<16xf32>
        %parallel_loop3A_295 = vector.shape_cast %parallel_loop3A_289 : vector<16xf32> to vector<1x1x16xf32>
        tpu.vector_store %arg10[%parallel_loop3A_290, %parallel_loop3A_291, %parallel_loop3A_292], %parallel_loop3A_295 {strides = array<i32>} : memref<2x128x128xf32, #tpu.memory_space<vmem>>, vector<1x1x16xf32>,
      } {sc.loop_unroll_factor = 4 : i64, sc.parallel_access}
      %add3A_126 = arith.addi %mul3A_2, %scan3A_79 : i32
      %mul3A_127 = arith.constant 128 : i32
      %mul3A_128 = arith.muli %add3A_126, %mul3A_127 : i32
      %dma_start3A_129 = arith.constant 0 : i32
      %dma_start3A_130 = arith.constant 0 : i32
      %dma_start3A_131 = tpu.memref_slice %arg10[%rem3A_80, %dma_start3A_129, %dma_start3A_130] : memref<2x128x128xf32, #tpu.memory_space<vmem>> -> memref<1x128x128xf32, #tpu.memory_space<vmem>>
      %dma_start3A_132 = tpu.memref_squeeze %dma_start3A_131 : memref<1x128x128xf32, #tpu.memory_space<vmem>> -> memref<128x128xf32, #tpu.memory_space<vmem>>
      %dma_start3A_133 = arith.constant 0 : i32
      %dma_start3A_134 = tpu.memref_slice %arg5[%mul3A_128, %dma_start3A_133] : memref<16384x128xf32, #tpu.memory_space<hbm>> -> memref<128x128xf32, #tpu.memory_space<hbm>>
      %dma_start3A_135 = tpu.memref_slice %arg13[%rem3A_80] : memref<2x!tpu.dma_semaphore, #tpu.memory_space<semaphore_mem>> -> memref<1x!tpu.dma_semaphore, #tpu.memory_space<semaphore_mem>>
      %dma_start3A_136 = tpu.memref_squeeze %dma_start3A_135 : memref<1x!tpu.dma_semaphore, #tpu.memory_space<semaphore_mem>> -> memref<!tpu.dma_semaphore, #tpu.memory_space<semaphore_mem>>
      %dma_start3A_137 = arith.constant 0 : i32
      %dma_start3A_138 = tpu.memref_slice %arg5[%mul3A_128, %dma_start3A_137] : memref<16384x128xf32, #tpu.memory_space<hbm>> -> memref<128x128xf32, #tpu.memory_space<hbm>>
      %dma_start3A_139 = arith.constant 0 : i32
      %dma_start3A_140 = arith.constant 0 : i32
      %dma_start3A_141 = tpu.memref_slice %arg10[%rem3A_80, %dma_start3A_139, %dma_start3A_140] : memref<2x128x128xf32, #tpu.memory_space<vmem>> -> memref<1x128x128xf32, #tpu.memory_space<vmem>>
      %dma_start3A_142 = tpu.memref_squeeze %dma_start3A_141 : memref<1x128x128xf32, #tpu.memory_space<vmem>> -> memref<128x128xf32, #tpu.memory_space<vmem>>
      tpu.enqueue_dma source(%dma_start3A_142 : memref<128x128xf32, #tpu.memory_space<vmem>>) target(%dma_start3A_138 : memref<128x128xf32, #tpu.memory_space<hbm>>) target_semaphore(%dma_start3A_136 : memref<!tpu.dma_semaphore, #tpu.memory_space<semaphore_mem>>)
    }
    %scan3A_43 = arith.constant 4 : i32
    %dma_wait3A = arith.constant 0 : i32
    %dma_wait3A_44 = arith.constant 0 : i32
    %dma_wait3A_45 = arith.constant 0 : i32
    %dma_wait3A_46 = arith.constant 0 : i32
    %dma_wait3A_47 = tpu.memref_slice %arg10[%dma_wait3A, %dma_wait3A_45, %dma_wait3A_46] : memref<2x128x128xf32, #tpu.memory_space<vmem>> -> memref<1x128x128xf32, #tpu.memory_space<vmem>>
    %dma_wait3A_48 = tpu.memref_squeeze %dma_wait3A_47 : memref<1x128x128xf32, #tpu.memory_space<vmem>> -> memref<128x128xf32, #tpu.memory_space<vmem>>
    %dma_wait3A_49 = arith.constant 0 : i32
    %dma_wait3A_50 = arith.constant 0 : i32
    %dma_wait3A_51 = tpu.memref_slice %arg5[%dma_wait3A_49, %dma_wait3A_50] : memref<16384x128xf32, #tpu.memory_space<hbm>> -> memref<128x128xf32, #tpu.memory_space<hbm>>
    %dma_wait3A_52 = tpu.memref_slice %arg13[%dma_wait3A_44] : memref<2x!tpu.dma_semaphore, #tpu.memory_space<semaphore_mem>> -> memref<1x!tpu.dma_semaphore, #tpu.memory_space<semaphore_mem>>
    %dma_wait3A_53 = tpu.memref_squeeze %dma_wait3A_52 : memref<1x!tpu.dma_semaphore, #tpu.memory_space<semaphore_mem>> -> memref<!tpu.dma_semaphore, #tpu.memory_space<semaphore_mem>>
    %dma_wait3A_54 = arith.constant 0 : i32
    %dma_wait3A_55 = arith.constant 0 : i32
    %dma_wait3A_56 = tpu.memref_slice %arg5[%dma_wait3A_54, %dma_wait3A_55] : memref<16384x128xf32, #tpu.memory_space<hbm>> -> memref<128x128xf32, #tpu.memory_space<hbm>>
    %dma_wait3A_57 = arith.constant 0 : i32
    %dma_wait3A_58 = arith.constant 0 : i32
    %dma_wait3A_59 = tpu.memref_slice %arg10[%dma_wait3A, %dma_wait3A_57, %dma_wait3A_58] : memref<2x128x128xf32, #tpu.memory_space<vmem>> -> memref<1x128x128xf32, #tpu.memory_space<vmem>>
    %dma_wait3A_60 = tpu.memref_squeeze %dma_wait3A_59 : memref<1x128x128xf32, #tpu.memory_space<vmem>> -> memref<128x128xf32, #tpu.memory_space<vmem>>
    tpu.wait_dma2 semaphore(%dma_wait3A_53 : memref<!tpu.dma_semaphore, #tpu.memory_space<semaphore_mem>>) src(%dma_wait3A_60 : memref<128x128xf32, #tpu.memory_space<vmem>>) dst(%dma_wait3A_56 : memref<128x128xf32, #tpu.memory_space<hbm>>)
    %dma_wait3A_61 = arith.constant 1 : i32
    %dma_wait3A_62 = arith.constant 1 : i32
    %dma_wait3A_63 = arith.constant 0 : i32
    %dma_wait3A_64 = arith.constant 0 : i32
    %dma_wait3A_65 = tpu.memref_slice %arg10[%dma_wait3A_61, %dma_wait3A_63, %dma_wait3A_64] : memref<2x128x128xf32, #tpu.memory_space<vmem>> -> memref<1x128x128xf32, #tpu.memory_space<vmem>>
    %dma_wait3A_66 = tpu.memref_squeeze %dma_wait3A_65 : memref<1x128x128xf32, #tpu.memory_space<vmem>> -> memref<128x128xf32, #tpu.memory_space<vmem>>
    %dma_wait3A_67 = arith.constant 0 : i32
    %dma_wait3A_68 = arith.constant 0 : i32
    %dma_wait3A_69 = tpu.memref_slice %arg5[%dma_wait3A_67, %dma_wait3A_68] : memref<16384x128xf32, #tpu.memory_space<hbm>> -> memref<128x128xf32, #tpu.memory_space<hbm>>
    %dma_wait3A_70 = tpu.memref_slice %arg13[%dma_wait3A_62] : memref<2x!tpu.dma_semaphore, #tpu.memory_space<semaphore_mem>> -> memref<1x!tpu.dma_semaphore, #tpu.memory_space<semaphore_mem>>
    %dma_wait3A_71 = tpu.memref_squeeze %dma_wait3A_70 : memref<1x!tpu.dma_semaphore, #tpu.memory_space<semaphore_mem>> -> memref<!tpu.dma_semaphore, #tpu.memory_space<semaphore_mem>>
    %dma_wait3A_72 = arith.constant 0 : i32
    %dma_wait3A_73 = arith.constant 0 : i32
    %dma_wait3A_74 = tpu.memref_slice %arg5[%dma_wait3A_72, %dma_wait3A_73] : memref<16384x128xf32, #tpu.memory_space<hbm>> -> memref<128x128xf32, #tpu.memory_space<hbm>>
    %dma_wait3A_75 = arith.constant 0 : i32
    %dma_wait3A_76 = arith.constant 0 : i32
    %dma_wait3A_77 = tpu.memref_slice %arg10[%dma_wait3A_61, %dma_wait3A_75, %dma_wait3A_76] : memref<2x128x128xf32, #tpu.memory_space<vmem>> -> memref<1x128x128xf32, #tpu.memory_space<vmem>>
    %dma_wait3A_78 = tpu.memref_squeeze %dma_wait3A_77 : memref<1x128x128xf32, #tpu.memory_space<vmem>> -> memref<128x128xf32, #tpu.memory_space<vmem>>
    tpu.wait_dma2 semaphore(%dma_wait3A_71 : memref<!tpu.dma_semaphore, #tpu.memory_space<semaphore_mem>>) src(%dma_wait3A_78 : memref<128x128xf32, #tpu.memory_space<vmem>>) dst(%dma_wait3A_74 : memref<128x128xf32, #tpu.memory_space<hbm>>)
    return
  }
}

</mosaic_0001>

<sc_bundles>
// kernel: _sc_call.3.cloned.1.call-start
scs
__scs_entry_jumppad:
0x0: {  	(pc) =	sbr.rel $0x88, $3  }
0x1: {  	(tag) =	ssettag $0x0;
	lr =	simm.s32 $0x1  }
0x2: {  	[smem:$0x3F9E] =	sst lr;
	_ =	strace $0xD0000000  }
0x3: {  	_ = 	snop  }
0x4: {  	_ = 	snop  }
0x5: {  	_ = 	snop  }
0x6: {  	_ = 	snop  }
0x7: {  	_ = 	snop  }
__scs_overlays_trampoline_lowered:
0x8: {  	[smem:$0x3FAD] =	sst s0  }
0x9: {  	[smem:$0x3FAE] =	sst s1  }
0xa: {  	[smem:$0x3FAF] =	sst s2  }
0xb: {  	[smem:$0x3FB0] =	sst s3  }
0xc: {  	[smem:$0x3FB1] =	sst s4  }
0xd: {  	[smem:$0x3FB2] =	sst s5  }
0xe: {  	[smem:$0x3FB3] =	sst s6  }
0xf: {  	[smem:$0x3FB4] =	sst s7  }
0x10: {  	[smem:$0x3FB5] =	sst s8  }
0x11: {  	[smem:$0x3FB6] =	sst s9;
	s0 =	simm.s32 @!p0 $0x0  }
0x12: {  	s1 =	sld [smem:$0x3F9C];
	s0 =	simm.s32 @p0 $0x1  }
0x13: {  	[smem:$0x3FB7] =	sst s0;
	s0 =	simm.s32 @!p1 $0x0  }
0x14: {  	s2 =	sld [smem:$0x3F9B];
	s0 =	simm.s32 @p1 $0x1  }
0x15: {  	[smem:$0x3FB8] =	sst s0;
	s0 =	simm.s32 @!p2 $0x0  }
0x16: {  	s3 =	sld [smem:$0x3FDB];
	s0 =	simm.s32 @p2 $0x1  }
0x17: {  	s4 =	simm.s32 $0x1BF5;
	[smem:$0x3FBA] =	sst s0  }
0x18: {  	s0 =	sld [smem:$0x3F9D];
	_ =	swait.ge [sflag:s4], $0x0  }
0x19: {  	s7 =	sld [smem:$0x3F9E]  }
0x1a: {  	s8 =	sadd.s32 $0xFFFFE003, lr  }
0x1b: {  	s9 =	sadd.s32 $0xFFFFFEF7, lr;
	s5 =	simm.s32 $0xFFFFFFFF;
	p2 =	slt.u32 s8, $0xFFFFF086  }
0x1c: {  	p1 =	slt.u32 s9, $0xF7A;
	s5 =	simm.s32 @!p2 $0x0  }
0x1d: {  	s5 =	simm.s32 @p1 $0x1;
	p0 =	seq.s32 s7, s2  }
0x1e: {  	s7 =	smul.u32 @!p0 $0xF7A, s2;
	p2 =	seq.s32 @!p0 s5, $0x0  }
0x1f: {  	s9 =	smul.u32 $0xF7A, s1;
	s8 =	simm.s32 @!p0 $0x1BF5;
	p2 =	por !p2, p0  }
0x20: {  	[sflag:s8] =	ssyncset.s32 @!p0 $0xFFFFF086;
	s6 =	sadd.s32 @!p0 s3, s7;
	s7 =	simm.s32 @!p0 $0x108  }
0x21: {  	s3 =	sadd.s32 s3, s9;
	s6 =	sadd.s32 @!p0 $0x88, s6;
	s7 =	simm.s32 @p2 $0x1082  }
0x22: {  	[simem:s7], [sflag:s8] =	dma.local @!p0 [hbm:s6], $0xF7A  }
0x23: {  	s9 =	sor.u32 $0xD0000000, s2;
	s6 =	simm.s32 $0x108;
	_ =	swait.ge @!p0 [sflag:s8], $0x0  }
0x24: {  	s3 =	sadd.s32 $0x88, s3;
	s6 =	simm.s32 @!p1 $0x1082;
	[sflag:s4] =	ssyncset.s32 $0xFFFFF086  }
0x25: {  	[simem:s6], [sflag:s4] =	dma.local [hbm:s3], $0xF7A  }
0x26: {  	[smem:$0x3F9E] =	sst s1;
	(tag) =	ssettag s2;
	_ =	strace s9  }
0x27: {  	s1 =	sld [smem:$0x3FAE]  }
0x28: {  	s2 =	sld [smem:$0x3FAF]  }
0x29: {  	s4 =	sld [smem:$0x3FB1]  }
0x2a: {  	p0 =	seq.s32 s5, $0x0;
	s5 =	sld [smem:$0x3FB2]  }
0x2b: {  	s6 =	sld [smem:$0x3FB3]  }
0x2c: {  	s7 =	sld [smem:$0x3FB4]  }
0x2d: {  	s3 =	simm.s32 $0x108;
	s8 =	sld [smem:$0x3FB5]  }
0x2e: {  	s3 =	simm.s32 @!p0 $0x1082;
	s9 =	sld [smem:$0x3FB6]  }
0x2f: {  	lr =	sadd.s32 s0, s3;
	s0 =	sld [smem:$0x3FAD]  }
0x30: {  	s3 =	sld [smem:$0x3FB0]  }
0x31: {  	[smem:$0x3FB9] =	sst s10  }
0x32: {  	s10 =	sld [smem:$0x3FB7];
	_ =	sdelay $0x3  }
0x33: {  	p0 =	seq.s32 s10, $0x1;
	s10 =	sld [smem:$0x3FB9];
	_ =	sdelay $0x3  }
0x34: {  	[smem:$0x3FB9] =	sst s10  }
0x35: {  	s10 =	sld [smem:$0x3FB8];
	_ =	sdelay $0x3  }
0x36: {  	p1 =	seq.s32 s10, $0x1;
	s10 =	sld [smem:$0x3FB9];
	_ =	sdelay $0x3  }
0x37: {  	[smem:$0x3FB9] =	sst s10  }
0x38: {  	s10 =	sld [smem:$0x3FBA]  }
0x39: {  	_ = 	snop;
	(pc) =	sbr.ind lr, $3  }
0x3a: {  	_ = 	snop  }
0x3b: {  	_ = 	snop  }
0x3c: {  	p2 =	seq.s32 s10, $0x1;
	s10 =	sld [smem:$0x3FB9]  }
0x3d: {  	_ =	shalt  }
0x3e: {  	_ =	shalt  }
0x3f: {  	_ =	shalt  }
0x40: {  	_ =	shalt  }
0x41: {  	_ =	shalt  }
0x42: {  	_ =	shalt  }
0x43: {  	_ =	shalt  }
0x44: {  	_ =	shalt  }
0x45: {  	_ =	shalt  }
0x46: {  	_ =	shalt  }
0x47: {  	_ =	shalt  }
0x48: {  	_ =	shalt  }
0x49: {  	_ =	shalt  }
0x4a: {  	_ =	shalt  }
0x4b: {  	_ =	shalt  }
0x4c: {  	_ =	shalt  }
0x4d: {  	_ =	shalt  }
0x4e: {  	_ =	shalt  }
0x4f: {  	_ =	shalt  }
0x50: {  	_ =	shalt  }
0x51: {  	_ =	shalt  }
0x52: {  	_ =	shalt  }
0x53: {  	_ =	shalt  }
0x54: {  	_ =	shalt  }
0x55: {  	_ =	shalt  }
0x56: {  	_ =	shalt  }
0x57: {  	_ =	shalt  }
0x58: {  	_ =	shalt  }
0x59: {  	_ =	shalt  }
0x5a: {  	_ =	shalt  }
0x5b: {  	_ =	shalt  }
0x5c: {  	_ =	shalt  }
0x5d: {  	_ =	shalt  }
0x5e: {  	_ =	shalt  }
0x5f: {  	_ =	shalt  }
0x60: {  	_ =	shalt  }
0x61: {  	_ =	shalt  }
0x62: {  	_ =	shalt  }
0x63: {  	_ =	shalt  }
0x64: {  	_ =	shalt  }
0x65: {  	_ =	shalt  }
0x66: {  	_ =	shalt  }
0x67: {  	_ =	shalt  }
0x68: {  	_ =	shalt  }
0x69: {  	_ =	shalt  }
0x6a: {  	_ =	shalt  }
0x6b: {  	_ =	shalt  }
0x6c: {  	_ =	shalt  }
0x6d: {  	_ =	shalt  }
0x6e: {  	_ =	shalt  }
0x6f: {  	_ =	shalt  }
0x70: {  	_ =	shalt  }
0x71: {  	_ =	shalt  }
0x72: {  	_ =	shalt  }
0x73: {  	_ =	shalt  }
0x74: {  	_ =	shalt  }
0x75: {  	_ =	shalt  }
0x76: {  	_ =	shalt  }
0x77: {  	_ =	shalt  }
0x78: {  	_ =	shalt  }
0x79: {  	_ =	shalt  }
0x7a: {  	_ =	shalt  }
0x7b: {  	_ =	shalt  }
0x7c: {  	_ =	shalt  }
0x7d: {  	_ =	shalt  }
0x7e: {  	_ =	shalt  }
0x7f: {  	_ =	shalt  }
0x80: {  	_ =	shalt  }
0x81: {  	_ =	shalt  }
0x82: {  	_ =	shalt  }
0x83: {  	_ =	shalt  }
0x84: {  	_ =	shalt  }
0x85: {  	_ =	shalt  }
0x86: {  	_ =	shalt  }
0x87: {  	_ =	shalt  }
.Lfunc_end0:
.L_simem_size_0:
called_computation_lowered:
.L_overlay_start_0:
0x88: {  	s2 =	sld [smem:$0x3FD9]  }
0x89: {  	s3 =	sld [smem:$0x3FFE];
	_ =	sdelay $0x1  }
0x8a: {  	s1 =	srdreg.scid  }
0x8b: {  	s0 =	sand.u32 $0x1, s1  }
0x8c: {  	s18 =	sshll.u32 s0, $0xA;
	s2 =	sadd.s32 s3, s2  }
0x8d: {  	s2 =	sadd.s32 s2, s18  }
0x8e: {  	[smem:$0x3FC5] =	sst s2  }
0x8f: {  	_ = 	snop  }
0x90: {  	s2 =	sld [smem:$0x3FC9]  }
0x91: {  	s19 =	sld [smem:$0x3FC8]  }
0x92: {  	s4 =	sld [smem:$0x3FC7]  }
0x93: {  	s5 =	sld [smem:$0x3FD0];
	(tm) =	ssettm $0x1  }
0x94: {  	s6 =	sld [smem:$0x3FFB];
	_ =	sdelay $0x3  }
0x95: {  	_ =	strace s6  }
0x96: {  	s6 =	sld [smem:$0x3FFC];
	_ =	sdelay $0x3  }
0x97: {  	_ =	strace s6  }
0x98: {  	s6 =	sld [smem:$0x3FFD];
	_ =	sdelay $0x3  }
0x99: {  	_ =	strace s6  }
0x9a: {  	_ =	strace $0x8FFFFFFF  }
0x9b: {  	s20 =	sld [smem:$0x3FDB];
	_ =	sdelay $0x1  }
0x9c: {  	s7 =	simm.s32 $_scs_section_size  }
0x9d: {  	s8 =	simm.s32 $_size__tile_overlayer_lowered;
	s9 =	simm.s32 $_tile_overlayer_lowered  }
0x9e: {  	s23 =	simm.s32 $0x1BFF;
	s22 =	sshll.u32 s9, $0x1;
	s6 =	sadd.s32 s7, s20  }
0x9f: {  	s10 =	simm.s32 $0x0;
	s21 =	sshll.u32 s8, $0x1;
	s8 =	sadd.s32 s22, s6  }
0xa0: {  	[timem:s10], [sflag:s23] =	dma.local [hbm:s8], s21  }
0xa1: {  	_ =	swait.ge [sflag:s23], s21  }
0xa2: {  	s7 =	ssub.s32 $0x0, s21;
	[sflag:s23] =	ssyncset.done $0x0  }
0xa3: {  	[sflag:s23] =	ssyncadd.s32 s7;
	_ =	sdelay $0x1  }
0xa4: {  	s24 =	simm.s32 $0x1B8B  }
0xa5: {  	_ =	swait.ge [sflag:s24], $0x1  }
0xa6: {  	[sflag:s24] =	ssyncset.done $0x0  }
0xa7: {  	s25 =	simm.s32 $0x1B8E;
	[sflag:s24] =	ssyncadd.s32 $0xFFFFFFFF  }
0xa8: {  	s26 =	simm.s32 $execute0_lowered;
	[smem:$0x3FD2] =	sst s25  }
0xa9: {  	s7 =	sshll.u32 s26, $0x1;
	_ =	strace $0x80000046;
	[dreg:$0x1] =	wrdreg $0xFFFFFFFF  }
0xaa: {  	s28 =	simm.s32 $_size_execute0_lowered;
	s6 =	sadd.s32 s6, s7;
	[dreg:$0x0] =	wrdreg $0x0  }
0xab: {  	s7 =	sshll.u32 s28, $0x1;
	[dreg:$0x2] =	wrdreg s6  }
0xac: {  	[dreg:$0x3] =	wrdreg s7  }
0xad: {  	[dreg:$0x4] =	wrdreg $0xC0  }
0xae: {  	_ =	task [dreg:s10], $0x5FFFF  }
0xaf: {  	[dreg:$0x1] =	wrdreg $0xFFFFFFFF  }
0xb0: {  	[dreg:$0x0] =	wrdreg $0x60  }
0xb1: {  	[dreg:$0x2] =	wrdreg s2  }
0xb2: {  	[dreg:$0x3] =	wrdreg s19  }
0xb3: {  	[dreg:$0x4] =	wrdreg s4  }
0xb4: {  	[dreg:$0x5] =	wrdreg s5  }
0xb5: {  	[dreg:$0x6] =	wrdreg $0x0  }
0xb6: {  	[dreg:$0x7] =	wrdreg $0x9  }
0xb7: {  	_ =	task.clear_ibuf [dreg:s10], $0x8FFFF;
	_ =	strace $0x90000046  }
0xb8: {  	s29 =	simm.s32 $0x9;
	_ =	strace $0x80000048  }
0xb9: {  	_ =	swait.ge [sflag:s29], $0x1  }
0xba: {  	[sflag:s29] =	ssyncadd.s32 $0xFFFFFFFF  }
0xbb: {  	_ =	strace $0x90000048  }
0xbc: {  	_ =	sfence  }
0xbd: {  	s30 =	sld [smem:$0x0];
	_ =	sdelay $0x2  }
0xbe: {  	s31 =	sshll.u32 s1, $0xD;
	s1 =	sshrl.u32 s1, $0x2  }
0xbf: {  	s3 =	sand.u32 $0x4000, s31;
	s1 =	sadd.s32 s1, s30  }
0xc0: {  	s0 =	sor.u32 s3, s0;
	s1 =	sshll.u32 s1, $0x11  }
0xc1: {  	s0 =	sor.u32 s1, s0  }
0xc2: {  	s0 =	sadd.s32 $0x8F2B, s0  }
0xc3: {  	[sflag:s0] =	ssyncadd.remote.s32 $0x1  }
0xc4: {  	_ =	sfence.sel $0xFFFF  }
0xc5: {  	[dreg:$0x0] =	wrdreg $0xFFFFFFFF;
	(pc) =	sbr.abs _section_cstart, $3  }
0xc6: {  	[dreg:$0x1] =	wrdreg $0xFFFFFFFF  }
0xc7: {  	_ =	task.clear_ibuf [dreg:s10], $0x2FFFF;
	_ =	strace $0x9FFFFFFF  }
0xc8: {  	(tm) =	ssettm $0x7FFFFFFF  }
0xc9: {  	_ =	shalt  }
tec
execute0_lowered:
.L_overlay_start_1:
0x0: {  	(tag) =	ssettag $0x1  }
0x1: {  	s0 =	rddreg [dreg:$0x0]  }
0x2: {  	s6 =	rddreg [dreg:$0x1]  }
0x3: {  	s2 =	rddreg [dreg:$0x2]  }
0x4: {  	s3 =	rddreg [dreg:$0x3]  }
0x5: {  	s4 =	rddreg [dreg:$0x4]  }
0x6: {  	s7 =	srdreg.scid;
	s1 =	rddreg [dreg:$0x5];
	s5 =	simm.s32 $0x0  }
0x7: {  	s10 =	stileid.u32;
	s12 =	simm.s32 $0x7;
	s13 =	simm.s32 $0x2140  }
0x8: {  	s14 =	simm.s32 $0x80;
	s15 =	simm.s32 $0xA140;
	s16 =	simm.s32 $0x5  }
0x9: {  	s17 =	simm.s32 $0x6;
	s18 =	simm.s32 $0x0;
	s7 =	sand.u32 $0x1, s7  }
0xa: {  	[smem:$0x7FF] =	sst s5;
	s30 =	sshll.u32 s10, $0x1;
	s31 =	sshll.u32 s10, $0x7  }
0xb: {  	p0 =	sne.s32 s10, $0x0;
	s8 =	ssub.s32 $0x2, s7;
	_ =	strace $0x80000047  }
0xc: {  	s11 =	sshll.u32 s7, $0x6;
	s10 =	sshrl.u32 @!p0 s4, $0x3;
	s9 =	sshrl.u32 s8, $0x1  }
0xd: {  	s11 =	sadd.s32 s6, s11;
	s9 =	ssub.s32 s8, s9;
	s8 =	sor.u32 s7, s30  }
0xe: {  	s7 =	sadd.s32 s31, s11;
	s6 =	sshll.u32 s8, $0x2;
	s8 =	sshll.u32 s8, $0xD  }
0xf: {  	s11 =	simm.s32 $0x1F40;
	s9 =	smax.u32 s9, $0x1;
	s8 =	sadd.s32 s0, s8  }
.LBB2_1:
0x10: {  	s19 =	simm.s32 @!p0 $0x1C07  }
0x11: {  	[spmem:s10], [sflag:s19] =	dma.local @!p0 [hbm:s2], $0x3E80  }
0x12: {  	s19 =	simm.s32 @!p0 $0x7  }
0x13: {  	_ =	swait.ge @!p0 [sflag:s19], $0x3E80  }
0x14: {  	[sflag:s19] =	ssyncset.done @!p0 $0x0  }
0x15: {  	[sflag:s19] =	ssyncadd.s32 @!p0 $0xFFFFC180  }
0x16: {  	[tilespmem:s11], [sflag:$0x7] =	stream.linear.gather [hbm4b:s7+s5], $0x200, $0x38;
	[tilespmem:$0x1A140] =	vst v63  }
0x17: {  	_ =	swait.ge [sflag:s12], $0x200  }
0x18: {  	[sflag:s12] =	ssyncset.done $0x0  }
0x19: {  	[sflag:s12] =	ssyncadd.s32 $0xFFFFFE00  }
0x1a: {  	[tilespmem:s13], [sflag:$0x1] =	stream.linear.gather [hbm4b:s8+s5], $0x4000, $0x38;
	[tilespmem:$0x1A140] =	vst v63  }
0x1b: {  	p1 =	por $0x0, $0x0;
	s21 =	simm.s32 $0x0;
	[bflag:$0x0] =	sbarrier.arrive $0xFFFF  }
0x1c: {  	[tilespmem:s15], [sflag:$0x3] =	stream.indirect.gather [spmem:s4], $0x80, s11, s14, $0xb8;
	[tilespmem:$0x1A140] =	vst v63  }
.LBB2_2:
0x1d: {  	s19 =	sadd.s32 $0x1, s21;
	p2 =	seq.s32 s21, $0x3  }
0x1e: {  	s20 =	sand.u32 $0x1, s21;
	s23 =	sadd.s32 @!p2 s6, s19  }
0x1f: {  	s22 =	sxor.u32 @!p2 $0x1, s20;
	s23 =	sshll.u32 @!p2 s23, $0xB  }
0x20: {  	s28 =	simm.s32 @!p2 $0x0;
	s24 =	sshll.u32 @!p2 s22, $0xE;
	s23 =	sand.u32 @!p2 $0x1FFFF800, s23  }
0x21: {  	s26 =	sadd.s32 @!p2 $0x1, s22;
	s25 =	sor.u32 @!p2 $0x2140, s24;
	s23 =	sadd.s32 @!p2 s0, s23  }
0x22: {  	[tilespmem:s25], [sflag:s26] =	stream.linear.gather @!p2 [hbm4b:s23+s28], $0x4000, $0x38;
	[tilespmem:$0x1A140] =	vst v63  }
0x23: {  	s23 =	sshll.u32 @!p2 s19, $0x7  }
0x24: {  	s22 =	sadd.s32 @!p2 $0x3, s22;
	s24 =	sor.u32 @!p2 $0xA140, s24;
	s23 =	sand.u32 @!p2 $0x3FFFFF80, s23  }
0x25: {  	s25 =	simm.s32 @!p2 $0x80;
	s26 =	sadd.s32 $0x1, s20;
	s23 =	sadd.s32 @!p2 $0x1F40, s23  }
0x26: {  	[tilespmem:s24], [sflag:s22] =	stream.indirect.gather @!p2 [spmem:s4], $0x80, s23, s25, $0xb8;
	[tilespmem:$0x1A140] =	vst v63  }
0x27: {  	_ =	swait.ge [sflag:s26], $0x4000  }
0x28: {  	[sflag:s26] =	ssyncset.done $0x0  }
0x29: {  	s30 =	sadd.s32 $0x3, s20;
	[sflag:s26] =	ssyncadd.s32 $0xFFFFC000  }
0x2a: {  	_ =	swait.ge [sflag:s30], $0x4000  }
0x2b: {  	p2 =	slt.u32 s21, $0x2;
	[sflag:s30] =	ssyncset.done $0x0  }
0x2c: {  	s23 =	simm.s32 $0x1;
	s22 =	sadd.s32 @!p2 $0x5, s20;
	[sflag:s30] =	ssyncadd.s32 $0xFFFFC000  }
0x2d: {  	s23 =	simm.s32 @!p1 $0x0;
	_ =	swait.ge @!p2 [sflag:s22], $0x4000  }
0x2e: {  	s23 =	sshll.u32 s23, $0xE;
	[sflag:s22] =	ssyncset.done @!p2 $0x0  }
0x2f: {  	s28 =	sor.u32 $0x2240, s23;
	[sflag:s22] =	ssyncadd.s32 @!p2 $0xFFFFC000  }
0x30: {  	v0 =	vld [tilespmem:s28+$0x80]  }
0x31: {  	s31 =	sor.u32 $0xA240, s23;
	v1 =	vld [tilespmem:s28+$0xC0]  }
0x32: {  	v2 =	vld [tilespmem:s31+$0x80]  }
0x33: {  	v3 =	vld [tilespmem:s31+$0xC0]  }
0x34: {  	v4 =	vld [tilespmem:s28+$0xFFFFFF40]  }
0x35: {  	v5 =	vld [tilespmem:s31+$0xFFFFFF00]  }
0x36: {  	v6 =	vld [tilespmem:s28+$0xFFFFFF80]  }
0x37: {  	v7 =	vld [tilespmem:s28+$0xFFFFFFC0]  }
0x38: {  	v10 =	vld [tilespmem:s31+$0xFFFFFF80]  }
0x39: {  	s24 =	sadd.s32 $0x200, s28;
	v13 =	vld [tilespmem:s31+$0x0]  }
0x3a: {  	v16 =	vld [tilespmem:s24+$0x80]  }
0x3b: {  	s25 =	sadd.s32 $0x200, s31;
	v17 =	vld [tilespmem:s24+$0xC0]  }
0x3c: {  	v18 =	vld [tilespmem:s25+$0x80]  }
0x3d: {  	v19 =	vld [tilespmem:s25+$0xC0]  }
0x3e: {  	v20 =	vld [tilespmem:s24+$0xFFFFFF40]  }
0x3f: {  	v21 =	vld [tilespmem:s25+$0xFFFFFF00]  }
0x40: {  	v22 =	vld [tilespmem:s25+$0xFFFFFF40]  }
0x41: {  	v23 =	vld [tilespmem:s24+$0xFFFFFF80]  }
0x42: {  	v24 =	vld [tilespmem:s24+$0xFFFFFFC0]  }
0x43: {  	v27 =	vld [tilespmem:s25+$0xFFFFFF80]  }
0x44: {  	v57 =	vld [tilespmem:s25+$0xFFFFFFC0]  }
0x45: {  	v59 =	vld [tilespmem:s24+$0x0]  }
0x46: {  	v60 =	vld [tilespmem:s24+$0x40]  }
0x47: {  	v28 =	vld [tilespmem:s25+$0x0]  }
0x48: {  	v41 =	vld [tilespmem:s25+$0x40]  }
0x49: {  	v42 =	vld [tilespmem:s24+$0xFFFFFF00];
	v8 =	vmul.f32 v2, v0;
	v9 =	vmul.f32 v3, v1  }
0x4a: {  	v0 =	vmul.f32 v3, v0;
	v1 =	vmul.f32 v2, v1;
	v2 =	vld [tilespmem:s31+$0xFFFFFFC0]  }
0x4b: {  	v3 =	vld [tilespmem:s31+$0xFFFFFF40];
	v8 =	vsub.f32 v8, v9  }
0x4c: {  	s22 =	sor.u32 $0x12240, s23;
	v25 =	vmul.f32 v18, v16;
	v26 =	vmul.f32 v19, v17;
	v9 =	vld [tilespmem:s28+$0x0];
	v0 =	vadd.f32 v0, v1  }
0x4d: {  	v16 =	vmul.f32 v19, v16;
	v17 =	vmul.f32 v18, v17;
	v1 =	vld [tilespmem:s28+$0x40];
	[tilespmem:s22+$0x80] =	vst v8  }
0x4e: {  	v33 =	vmul.f32 v27, v23;
	v34 =	vmul.f32 v57, v24;
	v58 =	vsub.f32 v25, v26;
	[tilespmem:s22+$0xC0] =	vst v0;
	v0 =	vld [tilespmem:s28+$0xFFFFFF00]  }
0x4f: {  	s23 =	sadd.s32 $0x200, s22;
	v36 =	vmul.f32 v27, v24;
	v16 =	vadd.f32 v16, v17;
	v8 =	vmul.f32 v10, v6;
	v11 =	vld [tilespmem:s28+$0x90]  }
0x50: {  	[tilespmem:s23+$0x80] =	vst v58;
	v12 =	vmul.f32 v2, v7;
	v2 =	vmul.f32 v2, v6;
	v6 =	vld [tilespmem:s28+$0xD0]  }
0x51: {  	v18 =	vmul.f32 v57, v23;
	[tilespmem:s23+$0xC0] =	vst v16;
	v7 =	vmul.f32 v10, v7;
	v10 =	vld [tilespmem:s31+$0x90]  }
0x52: {  	v38 =	vsub.f32 v33, v34;
	v63 =	vld [tilespmem:s24+$0x90]  }
0x53: {  	v40 =	vadd.f32 v18, v36;
	v35 =	vld [tilespmem:s24+$0xD0]  }
0x54: {  	[tilespmem:s23+$0xFFFFFF80] =	vst v38;
	v37 =	vld [tilespmem:s25+$0x90]  }
0x55: {  	[tilespmem:s23+$0xFFFFFFC0] =	vst v40;
	v39 =	vld [tilespmem:s25+$0xD0]  }
0x56: {  	v43 =	vld [tilespmem:s24+$0xFFFFFFD0]  }
0x57: {  	v29 =	vld [tilespmem:s25+$0xFFFFFF90];
	v8 =	vsub.f32 v8, v12  }
0x58: {  	v2 =	vadd.f32 v2, v7;
	v7 =	vld [tilespmem:s31+$0xD0]  }
0x59: {  	v48 =	vmul.f32 v3, v4;
	v47 =	vld [tilespmem:s25+$0xFFFFFFD0];
	[tilespmem:s22+$0xFFFFFF80] =	vst v8;
	v8 =	vmul.f32 v5, v0  }
0x5a: {  	v4 =	vmul.f32 v5, v4;
	v5 =	vld [tilespmem:s31+$0x40];
	[tilespmem:s22+$0xFFFFFFC0] =	vst v2;
	v0 =	vmul.f32 v3, v0  }
0x5b: {  	v2 =	vld [tilespmem:s28+$0xFFFFFF90];
	v3 =	vsub.f32 v8, v48  }
0x5c: {  	v14 =	vld [tilespmem:s31+$0xFFFFFF90];
	v0 =	vadd.f32 v0, v4  }
0x5d: {  	v8 =	vld [tilespmem:s28+$0xFFFFFFD0];
	v4 =	vmul.f32 v10, v11;
	v49 =	vmul.f32 v7, v6;
	[tilespmem:s22+$0xFFFFFF00] =	vst v3  }
0x5e: {  	v6 =	vmul.f32 v10, v6;
	v3 =	vmul.f32 v7, v11;
	v7 =	vld [tilespmem:s31+$0xFFFFFFD0];
	[tilespmem:s22+$0xFFFFFF40] =	vst v0  }
0x5f: {  	v0 =	vsub.f32 v4, v49;
	v4 =	vld [tilespmem:s28+$0xFFFFFF10]  }
0x60: {  	v3 =	vadd.f32 v3, v6;
	v6 =	vld [tilespmem:s28+$0xFFFFFF50]  }
0x61: {  	v10 =	vmul.f32 v13, v9;
	v11 =	vmul.f32 v5, v1;
	[tilespmem:s22+$0x90] =	vst v0;
	v0 =	vld [tilespmem:s31+$0xFFFFFF10]  }
0x62: {  	v1 =	vmul.f32 v13, v1;
	v5 =	vmul.f32 v5, v9;
	[tilespmem:s22+$0xD0] =	vst v3;
	v3 =	vld [tilespmem:s31+$0xFFFFFF50]  }
0x63: {  	v9 =	vsub.f32 v10, v11;
	v10 =	vld [tilespmem:s28+$0xA0]  }
0x64: {  	v1 =	vadd.f32 v5, v1;
	v5 =	vld [tilespmem:s28+$0xE0]  }
0x65: {  	v11 =	vmul.f32 v14, v2;
	v50 =	vmul.f32 v7, v8;
	[tilespmem:s22+$0x0] =	vst v9;
	v9 =	vld [tilespmem:s31+$0xA0]  }
0x66: {  	v8 =	vmul.f32 v14, v8;
	v2 =	vmul.f32 v7, v2;
	[tilespmem:s22+$0x40] =	vst v1;
	v1 =	vld [tilespmem:s31+$0xE0]  }
0x67: {  	v18 =	vmul.f32 v22, v42;
	v48 =	vmul.f32 v22, v20;
	v7 =	vsub.f32 v11, v50;
	v11 =	vld [tilespmem:s28+$0x10]  }
0x68: {  	v20 =	vmul.f32 v21, v20;
	v2 =	vadd.f32 v2, v8;
	v8 =	vld [tilespmem:s28+$0x50];
	v51 =	vmul.f32 v0, v4  }
0x69: {  	v52 =	vmul.f32 v3, v6;
	v3 =	vmul.f32 v3, v4;
	[tilespmem:s22+$0xFFFFFF90] =	vst v7;
	v4 =	vld [tilespmem:s31+$0x10]  }
0x6a: {  	v49 =	vmul.f32 v21, v42;
	[tilespmem:s22+$0xFFFFFFD0] =	vst v2;
	v2 =	vld [tilespmem:s31+$0x50]  }
0x6b: {  	v44 =	vmul.f32 v37, v63;
	v45 =	vmul.f32 v39, v35;
	v18 =	vadd.f32 v18, v20;
	v53 =	vld [tilespmem:s28+$0xFFFFFFA0]  }
0x6c: {  	v46 =	vmul.f32 v37, v35;
	v14 =	vmul.f32 v39, v63;
	v50 =	vsub.f32 v49, v48;
	v54 =	vld [tilespmem:s28+$0xFFFFFFE0]  }
0x6d: {  	v24 =	vsub.f32 v44, v45;
	[tilespmem:s23+$0xFFFFFF40] =	vst v18;
	v56 =	vld [tilespmem:s31+$0xFFFFFFA0]  }
0x6e: {  	v14 =	vadd.f32 v14, v46;
	v0 =	vmul.f32 v0, v6;
	[tilespmem:s23+$0xFFFFFF00] =	vst v50;
	v15 =	vld [tilespmem:s31+$0xFFFFFFE0]  }
0x6f: {  	[tilespmem:s23+$0x90] =	vst v24;
	v58 =	vld [tilespmem:s24+$0xFFFFFF10];
	v6 =	vsub.f32 v51, v52  }
0x70: {  	[tilespmem:s23+$0xD0] =	vst v14;
	v7 =	vmul.f32 v1, v5;
	v63 =	vld [tilespmem:s25+$0xFFFFFF50];
	v0 =	vadd.f32 v3, v0  }
0x71: {  	v1 =	vmul.f32 v1, v10;
	v5 =	vmul.f32 v9, v5;
	v51 =	vld [tilespmem:s24+$0xA0];
	[tilespmem:s22+$0xFFFFFF10] =	vst v6  }
0x72: {  	v3 =	vmul.f32 v9, v10;
	v52 =	vld [tilespmem:s24+$0xE0];
	[tilespmem:s22+$0xFFFFFF50] =	vst v0  }
0x73: {  	v1 =	vadd.f32 v1, v5;
	v6 =	vld [tilespmem:s28+$0xFFFFFF20]  }
0x74: {  	v0 =	vsub.f32 v3, v7;
	v5 =	vld [tilespmem:s28+$0xFFFFFF60]  }
0x75: {  	[tilespmem:s22+$0xE0] =	vst v1;
	v1 =	vld [tilespmem:s31+$0xFFFFFF60]  }
0x76: {  	[tilespmem:s22+$0xA0] =	vst v0;
	v0 =	vld [tilespmem:s31+$0xFFFFFF20]  }
0x77: {  	v62 =	vmul.f32 v15, v54;
	v12 =	vmul.f32 v15, v53;
	v15 =	vld [tilespmem:s24+$0xFFFFFF90]  }
0x78: {  	v61 =	vmul.f32 v56, v53;
	v13 =	vmul.f32 v56, v54;
	v56 =	vld [tilespmem:s25+$0xE0]  }
0x79: {  	v3 =	vld [tilespmem:s28+$0xB0]  }
0x7a: {  	v9 =	vmul.f32 v4, v11;
	v55 =	vmul.f32 v2, v8;
	v7 =	vld [tilespmem:s28+$0xF0]  }
0x7b: {  	v4 =	vmul.f32 v4, v8;
	v2 =	vmul.f32 v2, v11;
	v10 =	vld [tilespmem:s31+$0xB0]  }
0x7c: {  	v8 =	vsub.f32 v9, v55;
	v11 =	vld [tilespmem:s31+$0xF0]  }
0x7d: {  	v2 =	vadd.f32 v2, v4;
	v55 =	vld [tilespmem:s25+$0xA0]  }
0x7e: {  	v53 =	vmul.f32 v28, v59;
	v12 =	vadd.f32 v12, v13;
	v13 =	vmul.f32 v41, v59;
	v59 =	vld [tilespmem:s24+$0xFFFFFF50];
	[tilespmem:s22+$0x10] =	vst v8  }
0x7f: {  	v32 =	vsub.f32 v61, v62;
	v62 =	vld [tilespmem:s25+$0xFFFFFF10];
	[tilespmem:s22+$0x50] =	vst v2  }
0x80: {  	v8 =	vmul.f32 v1, v5;
	v2 =	vmul.f32 v1, v6;
	v1 =	vld [tilespmem:s28+$0x20]  }
0x81: {  	v9 =	vld [tilespmem:s31+$0x60];
	[tilespmem:s22+$0xFFFFFFA0] =	vst v32  }
0x82: {  	v54 =	vmul.f32 v41, v60;
	[tilespmem:s22+$0xFFFFFFE0] =	vst v12;
	v4 =	vmul.f32 v0, v6;
	v6 =	vld [tilespmem:s28+$0x60]  }
0x83: {  	v17 =	vmul.f32 v28, v60;
	v12 =	vld [tilespmem:s28+$0xFFFFFFB0]  }
0x84: {  	v57 =	vsub.f32 v53, v54;
	v16 =	vld [tilespmem:s28+$0xFFFFFFF0]  }
0x85: {  	v13 =	vadd.f32 v13, v17;
	v24 =	vld [tilespmem:s31+$0xFFFFFFB0]  }
0x86: {  	[tilespmem:s23+$0x0] =	vst v57;
	v14 =	vld [tilespmem:s31+$0xFFFFFFF0]  }
0x87: {  	v0 =	vmul.f32 v0, v5;
	[tilespmem:s23+$0x40] =	vst v13;
	v4 =	vsub.f32 v4, v8;
	v8 =	vld [tilespmem:s31+$0x20]  }
0x88: {  	v33 =	vld [tilespmem:s24+$0x10]  }
0x89: {  	v0 =	vadd.f32 v2, v0;
	v37 =	vld [tilespmem:s24+$0x50]  }
0x8a: {  	v61 =	vmul.f32 v47, v43;
	v60 =	vmul.f32 v29, v15;
	v38 =	vld [tilespmem:s25+$0x10];
	[tilespmem:s22+$0xFFFFFF20] =	vst v4  }
0x8b: {  	v19 =	vmul.f32 v29, v43;
	v15 =	vmul.f32 v47, v15;
	v40 =	vld [tilespmem:s25+$0x50];
	[tilespmem:s22+$0xFFFFFF60] =	vst v0  }
0x8c: {  	v32 =	vsub.f32 v60, v61;
	v0 =	vld [tilespmem:s28+$0xFFFFFF30]  }
0x8d: {  	v35 =	vmul.f32 v56, v52;
	v34 =	vmul.f32 v55, v51;
	v15 =	vadd.f32 v15, v19;
	v2 =	vld [tilespmem:s28+$0xFFFFFF70]  }
0x8e: {  	v18 =	vmul.f32 v56, v51;
	v36 =	vmul.f32 v55, v52;
	[tilespmem:s23+$0xFFFFFF90] =	vst v32;
	v4 =	vld [tilespmem:s31+$0xFFFFFF30]  }
0x8f: {  	v39 =	vsub.f32 v34, v35;
	[tilespmem:s23+$0xFFFFFFD0] =	vst v15;
	v5 =	vld [tilespmem:s31+$0xFFFFFF70]  }
0x90: {  	v41 =	vmul.f32 v62, v58;
	v42 =	vmul.f32 v63, v59;
	v18 =	vadd.f32 v18, v36;
	v43 =	vld [tilespmem:s24+$0xFFFFFFA0]  }
0x91: {  	v13 =	vmul.f32 v63, v58;
	v17 =	vmul.f32 v62, v59;
	[tilespmem:s23+$0xA0] =	vst v39;
	v44 =	vld [tilespmem:s24+$0xFFFFFFE0]  }
0x92: {  	v45 =	vsub.f32 v41, v42;
	[tilespmem:s23+$0xE0] =	vst v18;
	v57 =	vld [tilespmem:s25+$0xFFFFFFA0]  }
0x93: {  	v13 =	vadd.f32 v13, v17;
	v46 =	vld [tilespmem:s24+$0xB0]  }
0x94: {  	v48 =	vmul.f32 v11, v3;
	v49 =	vmul.f32 v10, v7;
	v47 =	vld [tilespmem:s24+$0xF0];
	[tilespmem:s23+$0xFFFFFF10] =	vst v45  }
0x95: {  	v3 =	vmul.f32 v10, v3;
	v7 =	vmul.f32 v11, v7;
	v50 =	vld [tilespmem:s25+$0xB0];
	[tilespmem:s23+$0xFFFFFF50] =	vst v13  }
0x96: {  	v11 =	vadd.f32 v48, v49;
	v51 =	vmul.f32 v38, v33;
	v52 =	vmul.f32 v40, v37;
	v53 =	vld [tilespmem:s24+$0xFFFFFF20]  }
0x97: {  	v3 =	vsub.f32 v3, v7;
	v7 =	vmul.f32 v38, v37;
	v15 =	vmul.f32 v40, v33;
	v54 =	vld [tilespmem:s24+$0xFFFFFF60]  }
0x98: {  	[tilespmem:s22+$0xF0] =	vst v11;
	v55 =	vmul.f32 v9, v6;
	v11 =	vmul.f32 v8, v1;
	v56 =	vld [tilespmem:s25+$0xFFFFFF20];
	v13 =	vsub.f32 v51, v52  }
0x99: {  	[tilespmem:s22+$0xB0] =	vst v3;
	v3 =	vmul.f32 v8, v6;
	v1 =	vmul.f32 v9, v1;
	v6 =	vadd.f32 v15, v7;
	v7 =	vld [tilespmem:s25+$0xFFFFFF60]  }
0x9a: {  	v10 =	vld [tilespmem:s25+$0xF0];
	v8 =	vsub.f32 v11, v55;
	v9 =	vmul.f32 v4, v0;
	v11 =	vmul.f32 v5, v2;
	[tilespmem:s23+$0x10] =	vst v13  }
0x9b: {  	v1 =	vadd.f32 v1, v3;
	v3 =	vld [tilespmem:s25+$0xFFFFFFE0];
	v2 =	vmul.f32 v4, v2;
	v0 =	vmul.f32 v5, v0;
	[tilespmem:s23+$0x50] =	vst v6  }
0x9c: {  	v5 =	vmul.f32 v24, v12;
	[tilespmem:s22+$0x20] =	vst v8;
	v6 =	vmul.f32 v14, v16;
	v4 =	vsub.f32 v9, v11;
	v8 =	vld [tilespmem:s24+$0x20]  }
0x9d: {  	[tilespmem:s22+$0x60] =	vst v1;
	v1 =	vmul.f32 v14, v12;
	v0 =	vadd.f32 v0, v2;
	v2 =	vmul.f32 v24, v16;
	v9 =	vld [tilespmem:s24+$0x60]  }
0x9e: {  	v11 =	vld [tilespmem:s25+$0x20];
	[tilespmem:s22+$0xFFFFFF30] =	vst v4;
	v4 =	vsub.f32 v5, v6;
	v5 =	vmul.f32 v56, v53;
	v6 =	vmul.f32 v7, v54  }
0x9f: {  	v58 =	vld [tilespmem:s25+$0x60];
	[tilespmem:s22+$0xFFFFFF70] =	vst v0;
	v1 =	vadd.f32 v1, v2;
	v2 =	vmul.f32 v56, v54;
	v7 =	vmul.f32 v7, v53  }
0xa0: {  	v59 =	vmul.f32 v50, v47;
	v62 =	vld [tilespmem:s31+$0x30];
	[tilespmem:s22+$0xFFFFFFB0] =	vst v4;
	v4 =	vmul.f32 v10, v46;
	v5 =	vsub.f32 v5, v6  }
0xa1: {  	v0 =	vld [tilespmem:s28+$0x30];
	[tilespmem:s22+$0xFFFFFFF0] =	vst v1;
	v6 =	vmul.f32 v50, v46;
	v10 =	vmul.f32 v10, v47;
	v2 =	vadd.f32 v7, v2  }
0xa2: {  	v60 =	vmul.f32 v57, v43;
	v61 =	vmul.f32 v3, v44;
	v1 =	vld [tilespmem:s28+$0x70];
	v7 =	vadd.f32 v4, v59;
	[tilespmem:s23+$0xFFFFFF20] =	vst v5  }
0xa3: {  	v3 =	vmul.f32 v3, v43;
	v5 =	vsub.f32 v6, v10;
	v6 =	vmul.f32 v57, v44;
	[tilespmem:s23+$0xFFFFFF60] =	vst v2;
	v4 =	vld [tilespmem:s31+$0x70]  }
0xa4: {  	v63 =	vmul.f32 v58, v9;
	v10 =	vmul.f32 v11, v8;
	v2 =	vld [tilespmem:s24+$0xFFFFFF30];
	[tilespmem:s23+$0xF0] =	vst v7;
	v7 =	vsub.f32 v60, v61  }
0xa5: {  	v9 =	vmul.f32 v11, v9;
	v8 =	vmul.f32 v58, v8;
	[tilespmem:s23+$0xB0] =	vst v5;
	v6 =	vadd.f32 v3, v6;
	v3 =	vld [tilespmem:s24+$0xFFFFFF70]  }
0xa6: {  	v5 =	vld [tilespmem:s25+$0xFFFFFF30];
	v10 =	vsub.f32 v10, v63;
	[tilespmem:s23+$0xFFFFFFA0] =	vst v7  }
0xa7: {  	s29 =	sadd.s32 $0x200, s24;
	s26 =	smov.u32 s25;
	s28 =	simm.s32 $0x4;
	v9 =	vadd.f32 v8, v9;
	v8 =	vmul.f32 v62, v0;
	[tilespmem:s23+$0xFFFFFFE0] =	vst v6;
	v6 =	vld [tilespmem:s25+$0xFFFFFF70];
	v7 =	vmul.f32 v62, v1  }
.LBB2_3:
0xa8: {  	v11 =	vld [tilespmem:s29+$0x80];
	[tilespmem:s23+$0x20] =	vst v10;
	v1 =	vmul.f32 v4, v1;
	v0 =	vmul.f32 v4, v0  }
0xa9: {  	s25 =	sadd.s32 $0x200, s25;
	v4 =	vld [tilespmem:s29+$0xC0];
	[tilespmem:s23+$0x60] =	vst v9  }
0xaa: {  	v9 =	vld [tilespmem:s25+$0x80];
	v1 =	vsub.f32 v8, v1;
	v0 =	vadd.f32 v0, v7  }
0xab: {  	v7 =	vld [tilespmem:s25+$0xC0];
	v8 =	vmul.f32 v5, v2;
	v5 =	vmul.f32 v5, v3  }
0xac: {  	v10 =	vld [tilespmem:s29+$0xFFFFFF40];
	v3 =	vmul.f32 v6, v3;
	v2 =	vmul.f32 v6, v2;
	[tilespmem:s22+$0x30] =	vst v1  }
0xad: {  	v1 =	vld [tilespmem:s25+$0xFFFFFF00];
	[tilespmem:s22+$0x70] =	vst v0;
	s22 =	smov.u32 s23  }
0xae: {  	v0 =	vld [tilespmem:s25+$0xFFFFFF40];
	v3 =	vsub.f32 v8, v3;
	v2 =	vadd.f32 v2, v5  }
0xaf: {  	v5 =	vld [tilespmem:s29+$0xFFFFFF80]  }
0xb0: {  	v8 =	vmul.f32 v9, v11;
	v6 =	vld [tilespmem:s29+$0xFFFFFFC0];
	v12 =	vmul.f32 v7, v4;
	[tilespmem:s23+$0xFFFFFF30] =	vst v3  }
0xb1: {  	v7 =	vmul.f32 v7, v11;
	v4 =	vmul.f32 v9, v4;
	v3 =	vld [tilespmem:s25+$0xFFFFFF80];
	[tilespmem:s23+$0xFFFFFF70] =	vst v2  }
0xb2: {  	v2 =	vmul.f32 v1, v10;
	v9 =	vld [tilespmem:s25+$0xFFFFFFC0];
	v8 =	vsub.f32 v8, v12  }
0xb3: {  	s23 =	sadd.s32 $0x200, s23;
	v4 =	vadd.f32 v7, v4;
	v10 =	vmul.f32 v0, v10;
	v11 =	vld [tilespmem:s29+$0x0]  }
0xb4: {  	v7 =	vld [tilespmem:s29+$0x40];
	[tilespmem:s23+$0x80] =	vst v8  }
0xb5: {  	v8 =	vld [tilespmem:s25+$0x0];
	[tilespmem:s23+$0xC0] =	vst v4  }
0xb6: {  	v4 =	vmul.f32 v3, v5;
	v3 =	vmul.f32 v3, v6;
	v12 =	vld [tilespmem:s29+$0x90]  }
0xb7: {  	s28 =	sadd.s32 $0x4, s28;
	v6 =	vmul.f32 v9, v6;
	v5 =	vmul.f32 v9, v5;
	v9 =	vld [tilespmem:s29+$0xD0]  }
0xb8: {  	p2 =	slt.u32 s28, $0x7C;
	v13 =	vld [tilespmem:s25+$0x90]  }
0xb9: {  	v4 =	vsub.f32 v4, v6;
	v3 =	vadd.f32 v5, v3;
	v5 =	vld [tilespmem:s25+$0xD0]  }
0xba: {  	v6 =	vld [tilespmem:s25+$0x40];
	v14 =	vmul.f32 v8, v11;
	v8 =	vmul.f32 v8, v7  }
0xbb: {  	v15 =	vld [tilespmem:s29+$0xFFFFFF00];
	[tilespmem:s23+$0xFFFFFF80] =	vst v4  }
0xbc: {  	[tilespmem:s23+$0xFFFFFFC0] =	vst v3;
	v3 =	vld [tilespmem:s24+$0xFFFFFFB0]  }
0xbd: {  	v4 =	vld [tilespmem:s29+$0xFFFFFF90]  }
0xbe: {  	v17 =	vmul.f32 v13, v12;
	v16 =	vld [tilespmem:s29+$0xFFFFFFD0];
	v18 =	vmul.f32 v5, v9  }
0xbf: {  	v5 =	vmul.f32 v5, v12;
	v9 =	vmul.f32 v13, v9;
	v19 =	vld [tilespmem:s25+$0xFFFFFF90]  }
0xc0: {  	v1 =	vmul.f32 v1, v15;
	v0 =	vmul.f32 v0, v15;
	v12 =	vld [tilespmem:s25+$0xFFFFFFD0];
	v13 =	vsub.f32 v17, v18  }
0xc1: {  	v7 =	vmul.f32 v6, v7;
	v6 =	vmul.f32 v6, v11;
	v5 =	vadd.f32 v5, v9;
	v9 =	vld [tilespmem:s24+$0xFFFFFFF0]  }
0xc2: {  	v1 =	vsub.f32 v1, v10;
	v0 =	vadd.f32 v0, v2;
	[tilespmem:s23+$0x90] =	vst v13;
	v2 =	vld [tilespmem:s26+$0xFFFFFFB0]  }
0xc3: {  	v7 =	vsub.f32 v14, v7;
	v6 =	vadd.f32 v6, v8;
	[tilespmem:s23+$0xD0] =	vst v5;
	v5 =	vld [tilespmem:s26+$0xFFFFFFF0]  }
0xc4: {  	[tilespmem:s23+$0xFFFFFF00] =	vst v1;
	v1 =	vmul.f32 v19, v4;
	v8 =	vmul.f32 v19, v16;
	v10 =	vld [tilespmem:s29+$0xA0]  }
0xc5: {  	[tilespmem:s23+$0xFFFFFF40] =	vst v0;
	v0 =	vmul.f32 v12, v16;
	v4 =	vmul.f32 v12, v4;
	v11 =	vld [tilespmem:s29+$0xE0]  }
0xc6: {  	[tilespmem:s23+$0x0] =	vst v7;
	v7 =	vld [tilespmem:s25+$0xA0]  }
0xc7: {  	v0 =	vsub.f32 v1, v0;
	v1 =	vadd.f32 v4, v8;
	[tilespmem:s23+$0x40] =	vst v6;
	v4 =	vld [tilespmem:s25+$0xE0];
	v6 =	vmul.f32 v2, v3  }
0xc8: {  	v8 =	vld [tilespmem:s29+$0xFFFFFF10];
	v12 =	vmul.f32 v5, v9;
	v3 =	vmul.f32 v5, v3  }
0xc9: {  	v5 =	vld [tilespmem:s29+$0xFFFFFF50];
	[tilespmem:s23+$0xFFFFFF90] =	vst v0;
	v0 =	vmul.f32 v2, v9  }
0xca: {  	v2 =	vld [tilespmem:s25+$0xFFFFFF10];
	[tilespmem:s23+$0xFFFFFFD0] =	vst v1;
	v1 =	vsub.f32 v6, v12  }
0xcb: {  	v6 =	vld [tilespmem:s25+$0xFFFFFF50];
	v0 =	vadd.f32 v3, v0  }
0xcc: {  	v9 =	vmul.f32 v7, v10;
	v3 =	vld [tilespmem:s29+$0x10];
	v12 =	vmul.f32 v4, v11;
	[tilespmem:s22+$0xFFFFFFB0] =	vst v1  }
0xcd: {  	v7 =	vmul.f32 v7, v11;
	v4 =	vmul.f32 v4, v10;
	v1 =	vld [tilespmem:s29+$0x50];
	[tilespmem:s22+$0xFFFFFFF0] =	vst v0  }
0xce: {  	v0 =	vld [tilespmem:s25+$0x10];
	v9 =	vsub.f32 v9, v12  }
0xcf: {  	v4 =	vadd.f32 v4, v7;
	v10 =	vmul.f32 v2, v8;
	v2 =	vmul.f32 v2, v5;
	v11 =	vld [tilespmem:s25+$0x50]  }
0xd0: {  	v5 =	vmul.f32 v6, v5;
	v6 =	vmul.f32 v6, v8;
	v7 =	vld [tilespmem:s29+$0xFFFFFFA0];
	[tilespmem:s23+$0xA0] =	vst v9  }
0xd1: {  	v8 =	vld [tilespmem:s29+$0xFFFFFFE0];
	[tilespmem:s23+$0xE0] =	vst v4  }
0xd2: {  	v4 =	vsub.f32 v10, v5;
	v2 =	vadd.f32 v6, v2;
	v5 =	vld [tilespmem:s29+$0xB0]  }
0xd3: {  	v6 =	vmul.f32 v0, v3;
	v0 =	vmul.f32 v0, v1;
	v9 =	vld [tilespmem:s29+$0xF0]  }
0xd4: {  	[tilespmem:s23+$0xFFFFFF10] =	vst v4;
	v1 =	vmul.f32 v11, v1;
	v3 =	vmul.f32 v11, v3;
	v4 =	vld [tilespmem:s25+$0xB0]  }
0xd5: {  	[tilespmem:s23+$0xFFFFFF50] =	vst v2;
	v2 =	vld [tilespmem:s25+$0xF0]  }
0xd6: {  	v10 =	vld [tilespmem:s29+$0xFFFFFF20];
	v1 =	vsub.f32 v6, v1;
	v0 =	vadd.f32 v3, v0  }
0xd7: {  	v3 =	vld [tilespmem:s29+$0xFFFFFF60]  }
0xd8: {  	v6 =	vld [tilespmem:s25+$0xFFFFFF20];
	[tilespmem:s23+$0x10] =	vst v1  }
0xd9: {  	v1 =	vld [tilespmem:s25+$0xFFFFFF60];
	[tilespmem:s23+$0x50] =	vst v0;
	v0 =	vmul.f32 v4, v5  }
0xda: {  	v4 =	vmul.f32 v4, v9;
	v11 =	vld [tilespmem:s25+$0xFFFFFFA0];
	v5 =	vmul.f32 v2, v5  }
0xdb: {  	v2 =	vmul.f32 v2, v9;
	v12 =	vld [tilespmem:s25+$0xFFFFFFE0]  }
0xdc: {  	v9 =	vld [tilespmem:s29+$0x20];
	v4 =	vadd.f32 v5, v4  }
0xdd: {  	v0 =	vsub.f32 v0, v2;
	v5 =	vmul.f32 v6, v10;
	v6 =	vmul.f32 v6, v3;
	v13 =	vld [tilespmem:s29+$0x60]  }
0xde: {  	v2 =	vmul.f32 v1, v3;
	v1 =	vmul.f32 v1, v10;
	v3 =	vld [tilespmem:s25+$0x20];
	[tilespmem:s23+$0xF0] =	vst v4  }
0xdf: {  	v4 =	vmul.f32 v11, v7;
	v10 =	vmul.f32 v11, v8;
	v11 =	vld [tilespmem:s25+$0x60];
	[tilespmem:s23+$0xB0] =	vst v0  }
0xe0: {  	v2 =	vsub.f32 v5, v2;
	v5 =	vmul.f32 v12, v8;
	v7 =	vmul.f32 v12, v7;
	v0 =	vld [tilespmem:s24+$0x30]  }
0xe1: {  	v6 =	vadd.f32 v1, v6;
	v1 =	vld [tilespmem:s24+$0x70];
	s24 =	smov.u32 s29  }
0xe2: {  	[tilespmem:s23+$0xFFFFFF20] =	vst v2;
	v5 =	vsub.f32 v4, v5;
	v7 =	vadd.f32 v7, v10;
	v12 =	vld [tilespmem:s26+$0x30]  }
.Ltmp0:
0xe3: {  	[tilespmem:s23+$0xFFFFFF60] =	vst v6;
	v6 =	vmul.f32 v3, v9;
	v8 =	vmul.f32 v3, v13;
	v4 =	vld [tilespmem:s26+$0x70];
	s26 =	smov.u32 s25;
	(pc) =	sbr.rel @p2 .LBB2_3-.Ltmp0, $4  }
0xe4: {  	v2 =	vld [tilespmem:s29+$0xFFFFFF30];
	[tilespmem:s23+$0xFFFFFFA0] =	vst v5;
	v10 =	vmul.f32 v11, v13;
	v9 =	vmul.f32 v11, v9  }
0xe5: {  	v3 =	vld [tilespmem:s29+$0xFFFFFF70];
	[tilespmem:s23+$0xFFFFFFE0] =	vst v7  }
0xe6: {  	v5 =	vld [tilespmem:s25+$0xFFFFFF30];
	v10 =	vsub.f32 v6, v10;
	v9 =	vadd.f32 v9, v8  }
0xe7: {  	s29 =	sadd.s32 $0x200, s29;
	v6 =	vld [tilespmem:s25+$0xFFFFFF70];
	v8 =	vmul.f32 v12, v0;
	v7 =	vmul.f32 v12, v1  }
0xe8: {  	v11 =	vld [tilespmem:s24+$0xFFFFFFB0]  }
0xe9: {  	v12 =	vld [tilespmem:s24+$0xFFFFFFF0]  }
0xea: {  	[tilespmem:s23+$0x20] =	vst v10;
	v44 =	vld [tilespmem:s26+$0xFFFFFFB0]  }
0xeb: {  	[tilespmem:s23+$0x60] =	vst v9;
	v45 =	vld [tilespmem:s26+$0xFFFFFFF0]  }
0xec: {  	v13 =	vld [tilespmem:s24+$0x30]  }
0xed: {  	v14 =	vld [tilespmem:s24+$0x70]  }
0xee: {  	v1 =	vmul.f32 v4, v1;
	v15 =	vld [tilespmem:s26+$0x30]  }
0xef: {  	v0 =	vmul.f32 v4, v0;
	v46 =	vld [tilespmem:s26+$0x70]  }
0xf0: {  	v1 =	vsub.f32 v8, v1;
	v47 =	vmul.f32 v5, v2;
	v16 =	vmul.f32 v6, v3  }
0xf1: {  	v0 =	vadd.f32 v0, v7;
	v48 =	vmul.f32 v5, v3;
	v49 =	vmul.f32 v6, v2  }
0xf2: {  	[tilespmem:s22+$0x30] =	vst v1;
	v51 =	vmul.f32 v44, v11;
	v52 =	vmul.f32 v45, v12;
	v50 =	vsub.f32 v47, v16  }
0xf3: {  	[tilespmem:s22+$0x70] =	vst v0;
	v54 =	vmul.f32 v45, v11;
	v55 =	vmul.f32 v44, v12;
	v53 =	vadd.f32 v49, v48  }
0xf4: {  	v57 =	vmul.f32 v15, v13;
	v58 =	vmul.f32 v46, v14;
	v56 =	vsub.f32 v51, v52;
	[tilespmem:s23+$0xFFFFFF30] =	vst v50  }
0xf5: {  	v60 =	vmul.f32 v15, v14;
	v61 =	vmul.f32 v46, v13;
	v59 =	vadd.f32 v54, v55;
	[tilespmem:s23+$0xFFFFFF70] =	vst v53  }
0xf6: {  	p2 =	sne.s32 s19, $0x4;
	v62 =	vsub.f32 v57, v58;
	[tilespmem:s23+$0xFFFFFFB0] =	vst v56  }
.Ltmp1:
0xf7: {  	s21 =	sadd.s32 s6, s21;
	v63 =	vadd.f32 v61, v60;
	[tilespmem:s23+$0xFFFFFFF0] =	vst v59;
	(pc) =	sbr.rel @p2 .LBB2_2-.Ltmp1, $4  }
0xf8: {  	s30 =	sshll.u32 s20, $0xE;
	s21 =	sshll.u32 s21, $0xB;
	[tilespmem:s23+$0x30] =	vst v62  }
0xf9: {  	s31 =	sadd.s32 $0x5, s20;
	s21 =	sadd.s32 s3, s21;
	s22 =	sor.u32 $0x12140, s30;
	[tilespmem:s23+$0x70] =	vst v63  }
0xfa: {  	[hbm4b:s21+s5] =	stream.linear.scatter [tilespmem:s22], [sflag:s31], $0x4000, $0x38;
	[tilespmem:$0x1A140] =	vst v63  }
0xfb: {  	p1 =	por !p1, !p1;
	s21 =	smov.u32 s19  }
0xfc: {  	s18 =	sadd.s32 $0x1, s18  }
0xfd: {  	_ =	swait.ge [sflag:s16], $0x4000;
	p1 =	sne.s32 s18, s9  }
.Ltmp2:
0xfe: {  	[sflag:s16] =	ssyncset.done $0x0;
	(pc) =	sbr.rel @p1 .LBB2_1-.Ltmp2, $4  }
0xff: {  	[sflag:s16] =	ssyncadd.s32 $0xFFFFC000  }
0x100: {  	_ =	swait.ge [sflag:s17], $0x4000  }
0x101: {  	[sflag:s17] =	ssyncset.done $0x0  }
0x102: {  	[sflag:s17] =	ssyncadd.s32 $0xFFFFC000  }
0x103: {  	_ =	sfence.sel $0x180000  }
0x104: {  	[bflag:$0x0] =	sbarrier.arrive $0xFFFF  }
0x105: {  	_ =	strace $0x90000047  }
0x106: {  	s0 =	sadd.s32 @!p0 $0x100000, s1;
	[bflag:$0x2] =	sbarrier.arrive $0xFFFF  }
0x107: {  	[sflag:s0] =	ssyncadd.tile.s32 @!p0 $0x1;
	_ =	shalt  }
.Lfunc_end2:
_tile_overlayer_lowered:
.L_overlay_start_2:
0x108: {  	(tag) =	ssettag $0x2  }
0x109: {  	s0 =	rddreg [dreg:$0x0];
	s2 =	stileid.u32  }
0x10a: {  	s1 =	rddreg [dreg:$0x1];
	p0 =	sne.s32 s2, $0x0  }
0x10b: {  	s3 =	rddreg [dreg:$0x2];
	[bflag:$0x3] =	sbarrier.arrive $0xFFFF;
	s2 =	simm.s32 @!p0 $0x1C07  }
0x10c: {  	[timem:s3], [sflag:s2] =	dma.local @!p0 [hbm:s0], s1  }
0x10d: {  	s0 =	simm.s32 @!p0 $0x7  }
0x10e: {  	_ =	swait.ge @!p0 [sflag:s0], s1  }
0x10f: {  	s1 =	ssub.s32 @!p0 $0x0, s1;
	[sflag:s0] =	ssyncset.done @!p0 $0x0  }
0x110: {  	[sflag:s0] =	ssyncadd.s32 @!p0 s1  }
0x111: {  	[bflag:$0x3] =	sbarrier.arrive $0xFFFF  }
0x112: {  	_ =	shalt  }

</sc_bundles>
